<compile_context>
chip_gen: v7x
topology: tpu7x:2x2x1
jax: 0.10.2.dev20260603
libtpu: 0.0.44.dev20260713+nightly
codegen_flags: <defaults>
</compile_context>

<pallas_src>
import functools

import jax
import jax.numpy as jnp
from jax import lax
from jax.experimental import pallas as pl
from jax.experimental.pallas import tpu as pltpu
from jax.experimental.pallas import tpu_sc as plsc

NC = 2
NS = 16
L = 16
NW = NC * NS

GB = 128


def _make_kernel(V, S, E, B):
  assert E == 64 and B % GB == 0
  GPS = B // GB
  NG = S * GPS
  assert NG % NW == 0
  GPW = NG // NW
  mesh = plsc.VectorSubcoreMesh(
      core_axis_name="c", subcore_axis_name="s",
      num_cores=NC, num_subcores=NS)

  @functools.partial(
      pl.kernel,
      out_type=jax.ShapeDtypeStruct((S, E, B), jnp.float32),
      mesh=mesh,
      compiler_params=pltpu.CompilerParams(needs_layout_passes=False),
      scratch_types=[
          pltpu.VMEM((16, B), jnp.int32),
          pltpu.VMEM((S, E), jnp.float32),
          pltpu.VMEM((2, GB), jnp.int32),
          pltpu.VMEM((2, GB, 128), jnp.float32),
          pltpu.VMEM((2, E, GB), jnp.float32),
          [pltpu.SemaphoreType.DMA] * 2,
          [pltpu.SemaphoreType.DMA] * 2,
      ],
  )
  def k(tab_hbm, pos_hbm, xt_hbm, out_hbm, xv, posv, idxr, rows,
        blocks, gsems, ssems):
    wid = lax.axis_index("s") * NC + lax.axis_index("c")
    g0 = wid * GPW
    s_lo = g0 // GPS
    b0row = jnp.minimum((s_lo // 8) * 8, S - 16)
    pltpu.sync_copy(xt_hbm.at[pl.ds(b0row, 16)], xv)
    pltpu.sync_copy(pos_hbm, posv)

    iota = lax.iota(jnp.int32, L)

    def sb(g):
      return g // GPS, (g % GPS) * GB

    def prep_idx(g, slot):
      s, b0 = sb(g)
      row = s - b0row
      for c in range(GB // L):
        idxr[slot, pl.ds(c * L, L)] = xv[row, pl.ds(b0 + c * L, L)]

    def gather_start(g, slot):
      pltpu.async_copy(tab_hbm.at[idxr.at[slot]], rows.at[slot], gsems[slot])

    def gather_wait(g, slot):
      pltpu.make_async_copy(tab_hbm.at[idxr.at[slot]], rows.at[slot],
                            gsems[slot]).wait()

    def out_ref(g):
      s, b0 = sb(g)
      return out_hbm.at[s, :, pl.ds(b0, GB)]

    def store_start(g, slot):
      pltpu.async_copy(blocks.at[slot], out_ref(g), ssems[slot])

    def store_wait(g, slot):
      pltpu.make_async_copy(blocks.at[slot], out_ref(g), ssems[slot]).wait()

    prep_idx(g0, 0)
    gather_start(g0, 0)
    prep_idx(g0 + 1, 1)
    gather_start(g0 + 1, 1)

    @pl.loop(0, GPW, step=2)
    def _grp(j2):
      for kk in range(2):
        j = j2 + kk
        b = kk
        g = g0 + j
        s, _ = sb(g)
        gather_wait(g, b)

        @pl.when(j >= 2)
        def _():
          store_wait(g - 2, b)

        blk = blocks.at[b]
        pos_c = [posv[s, pl.ds(jj * L, L)] for jj in range(E // L)]

        @pl.loop(0, GB, unroll=4)
        def _row(r):
          rfull = jnp.full((L,), r, jnp.int32)
          for jj in range(E // L):
            vals = rows[b, r, pl.ds(jj * L, L)] + pos_c[jj]
            plsc.store_scatter(blk, [iota + jj * L, rfull], vals)

        store_start(g, b)

        @pl.when(j < GPW - 2)
        def _():
          prep_idx(g + 2, b)
          gather_start(g + 2, b)

    store_wait(g0 + GPW - 2, 0)
    store_wait(g0 + GPW - 1, 1)

  return k


def kernel(x, token_table, pos_table):
  B, S = x.shape
  V, E = token_table.shape
  xt = jnp.swapaxes(x.astype(jnp.int32), 0, 1)
  tab2 = jnp.pad(token_table, ((0, 0), (0, E)))
  k = _make_kernel(V, S, E, B)
  out_t = k(tab2, pos_table, xt)
  return jnp.transpose(out_t, (2, 0, 1))

# --- scband reference (transcript-rebuilt; emitter-appended) ---
"""Pipeline reference for scband-token-and-position-embedding-38792144617665 (READ-ONLY COPY).

The authoritative reference and input builder live on the scoring server;
editing this copy changes nothing except your own understanding.
"""

import jax, jax.numpy as jnp
import numpy as np

VOCAB = 1000000
MAXLEN = 200
EMB = 64
BATCH = 1024

def setup_inputs(seed: int = 0) -> dict:
    key = jax.random.key(seed)
    k1, k2, k3 = jax.random.split(key, 3)
    x = jax.random.randint(k1, (BATCH, MAXLEN), 0, VOCAB, dtype=jnp.int64 if jax.config.jax_enable_x64 else jnp.int32)
    token_table = jax.random.normal(k2, (VOCAB, EMB), dtype=jnp.float32) * 0.05
    pos_table = jax.random.normal(k3, (MAXLEN, EMB), dtype=jnp.float32) * 0.05
    return {"x": x, "token_table": token_table, "pos_table": pos_table}

def reference(x, token_table, pos_table):
    seq_len = x.shape[-1]
    positions = jnp.arange(0, seq_len)
    pos_emb = jnp.take(pos_table, positions, axis=0)  # [seq_len, EMB]
    tok_emb = jnp.take(token_table, x, axis=0)        # [B, seq_len, EMB]
    return tok_emb + pos_emb[None, :, :]

if __name__ == "__main__":
    import jax
    _d = setup_inputs()
    print(jax.jit(kernel)(*tuple(_d.values())))

</pallas_src>

<mosaic_0001>
#map = affine_map<(d0, d1) -> (0, 0)>
#map1 = affine_map<(d0, d1) -> (0, 0, 0)>
module attributes {stable_mosaic.version = 14 : i64} {
  func.func @k(%arg0: i32, %arg1: i32, %arg2: memref<1000000x128xf32, #tpu.memory_space<hbm>>, %arg3: memref<200x64xf32, #tpu.memory_space<hbm>>, %arg4: memref<200x1024xi32, #tpu.memory_space<hbm>>, %arg5: memref<200x64x1024xf32, #tpu.memory_space<hbm>>, %arg6: memref<16x1024xi32, #tpu.memory_space<vmem>>, %arg7: memref<200x64xf32, #tpu.memory_space<vmem>>, %arg8: memref<2x128xi32, #tpu.memory_space<vmem>>, %arg9: memref<2x128x128xf32, #tpu.memory_space<vmem>>, %arg10: memref<2x64x128xf32, #tpu.memory_space<vmem>>, %arg11: memref<!tpu.dma_semaphore, #tpu.memory_space<semaphore_mem>>, %arg12: memref<!tpu.dma_semaphore, #tpu.memory_space<semaphore_mem>>, %arg13: memref<!tpu.dma_semaphore, #tpu.memory_space<semaphore_mem>>, %arg14: memref<!tpu.dma_semaphore, #tpu.memory_space<semaphore_mem>>) attributes {dimension_semantics = [#tpu.dimension_semantics<core_parallel>, #tpu.dimension_semantics<subcore_parallel>], iteration_bounds = array<i64: 2, 16>, scalar_prefetch = 0 : i64, scratch_operands = 9 : i64, tpu.core_type = #tpu.core_type<sc_vector_subcore>, window_params = [{transform_indices = #map}, {transform_indices = #map}, {transform_indices = #map}, {transform_indices = #map1}]} {
    %mul3A = arith.constant 2 : i32
    %mul3A_0 = arith.muli %arg1, %mul3A : i32
    %add3A = arith.addi %mul3A_0, %arg0 : i32
    %mul3A_1 = arith.constant 50 : i32
    %mul3A_2 = arith.muli %add3A, %mul3A_1 : i32
    %jit3A = arith.constant 8 : i32
    %div3A = arith.divsi %mul3A_2, %jit3A : i32
    %sign3A = arith.constant 0 : i32
    %sign3A_3 = arith.cmpi sgt, %mul3A_2, %sign3A : i32
    %sign3A_4 = arith.extui %sign3A_3 : i1 to i32
    %sign3A_5 = arith.constant 0 : i32
    %sign3A_6 = arith.cmpi slt, %mul3A_2, %sign3A_5 : i32
    %sign3A_7 = arith.extui %sign3A_6 : i1 to i32
    %sign3A_8 = arith.subi %sign3A_4, %sign3A_7 : i32
    %sign3A_9 = arith.constant 0 : i32
    %sign3A_10 = arith.cmpi sgt, %jit3A, %sign3A_9 : i32
    %sign3A_11 = arith.extui %sign3A_10 : i1 to i32
    %sign3A_12 = arith.constant 0 : i32
    %sign3A_13 = arith.cmpi slt, %jit3A, %sign3A_12 : i32
    %sign3A_14 = arith.extui %sign3A_13 : i1 to i32
    %sign3A_15 = arith.subi %sign3A_11, %sign3A_14 : i32
    %ne3A = arith.cmpi ne, %sign3A_8, %sign3A_15 : i32
    %rem3A = arith.remsi %mul3A_2, %jit3A : i32
    %ne3A_16 = arith.constant 0 : i32
    %ne3A_17 = arith.cmpi ne, %rem3A, %ne3A_16 : i32
    %and3A = arith.andi %ne3A, %ne3A_17 : i1
    %sub3A = arith.constant 1 : i32
    %sub3A_18 = arith.subi %div3A, %sub3A : i32
    %select_n3A = arith.select %and3A, %sub3A_18, %div3A : i32
    %jit3A_19 = arith.constant 8 : i32
    %div3A_20 = arith.divsi %select_n3A, %jit3A_19 : i32
    %sign3A_21 = arith.constant 0 : i32
    %sign3A_22 = arith.cmpi sgt, %select_n3A, %sign3A_21 : i32
    %sign3A_23 = arith.extui %sign3A_22 : i1 to i32
    %sign3A_24 = arith.constant 0 : i32
    %sign3A_25 = arith.cmpi slt, %select_n3A, %sign3A_24 : i32
    %sign3A_26 = arith.extui %sign3A_25 : i1 to i32
    %sign3A_27 = arith.subi %sign3A_23, %sign3A_26 : i32
    %sign3A_28 = arith.constant 0 : i32
    %sign3A_29 = arith.cmpi sgt, %jit3A_19, %sign3A_28 : i32
    %sign3A_30 = arith.extui %sign3A_29 : i1 to i32
    %sign3A_31 = arith.constant 0 : i32
    %sign3A_32 = arith.cmpi slt, %jit3A_19, %sign3A_31 : i32
    %sign3A_33 = arith.extui %sign3A_32 : i1 to i32
    %sign3A_34 = arith.subi %sign3A_30, %sign3A_33 : i32
    %ne3A_35 = arith.cmpi ne, %sign3A_27, %sign3A_34 : i32
    %rem3A_36 = arith.remsi %select_n3A, %jit3A_19 : i32
    %ne3A_37 = arith.constant 0 : i32
    %ne3A_38 = arith.cmpi ne, %rem3A_36, %ne3A_37 : i32
    %and3A_39 = arith.andi %ne3A_35, %ne3A_38 : i1
    %sub3A_40 = arith.constant 1 : i32
    %sub3A_41 = arith.subi %div3A_20, %sub3A_40 : i32
    %select_n3A_42 = arith.select %and3A_39, %sub3A_41, %div3A_20 : i32
    %mul3A_43 = arith.constant 8 : i32
    %mul3A_44 = arith.muli %select_n3A_42, %mul3A_43 : i32
    %min3A = arith.constant 184 : i32
    %min3A_45 = arith.minsi %mul3A_44, %min3A : i32
    "tpu.region"() ({
      %run_scoped3A = tpu.sem_alloc : memref<!tpu.dma_semaphore, #tpu.memory_space<semaphore_mem>>
      %dma_start3A_424 = arith.constant 0 : i32
      %dma_start3A_425 = tpu.memref_slice %arg4[%min3A_45, %dma_start3A_424] : memref<200x1024xi32, #tpu.memory_space<hbm>> -> memref<16x1024xi32, #tpu.memory_space<hbm>>
      %dma_start3A_426 = arith.constant 0 : i32
      %dma_start3A_427 = tpu.memref_slice %arg4[%min3A_45, %dma_start3A_426] : memref<200x1024xi32, #tpu.memory_space<hbm>> -> memref<16x1024xi32, #tpu.memory_space<hbm>>
      tpu.enqueue_dma source(%dma_start3A_427 : memref<16x1024xi32, #tpu.memory_space<hbm>>) target(%arg6 : memref<16x1024xi32, #tpu.memory_space<vmem>>) target_semaphore(%run_scoped3A : memref<!tpu.dma_semaphore, #tpu.memory_space<semaphore_mem>>)
      %dma_wait3A_428 = arith.constant 0 : i32
      %dma_wait3A_429 = tpu.memref_slice %arg4[%min3A_45, %dma_wait3A_428] : memref<200x1024xi32, #tpu.memory_space<hbm>> -> memref<16x1024xi32, #tpu.memory_space<hbm>>
      %dma_wait3A_430 = arith.constant 0 : i32
      %dma_wait3A_431 = tpu.memref_slice %arg4[%min3A_45, %dma_wait3A_430] : memref<200x1024xi32, #tpu.memory_space<hbm>> -> memref<16x1024xi32, #tpu.memory_space<hbm>>
      tpu.wait_dma2 semaphore(%run_scoped3A : memref<!tpu.dma_semaphore, #tpu.memory_space<semaphore_mem>>) src(%dma_wait3A_431 : memref<16x1024xi32, #tpu.memory_space<hbm>>) dst(%arg6 : memref<16x1024xi32, #tpu.memory_space<vmem>>)
      tpu.yield
    }) : () -> ()
    "tpu.region"() ({
      %run_scoped3A = tpu.sem_alloc : memref<!tpu.dma_semaphore, #tpu.memory_space<semaphore_mem>>
      tpu.enqueue_dma source(%arg3 : memref<200x64xf32, #tpu.memory_space<hbm>>) target(%arg7 : memref<200x64xf32, #tpu.memory_space<vmem>>) target_semaphore(%run_scoped3A : memref<!tpu.dma_semaphore, #tpu.memory_space<semaphore_mem>>)
      tpu.wait_dma2 semaphore(%run_scoped3A : memref<!tpu.dma_semaphore, #tpu.memory_space<semaphore_mem>>) src(%arg3 : memref<200x64xf32, #tpu.memory_space<hbm>>) dst(%arg7 : memref<200x64xf32, #tpu.memory_space<vmem>>)
      tpu.yield
    }) : () -> ()
    %iota3A = tpu.iota {dimensions = array<i32: 0>} : vector<16xi32>
    %jit3A_46 = arith.constant 8 : i32
    %div3A_47 = arith.divsi %mul3A_2, %jit3A_46 : i32
    %sign3A_48 = arith.constant 0 : i32
    %sign3A_49 = arith.cmpi sgt, %mul3A_2, %sign3A_48 : i32
    %sign3A_50 = arith.extui %sign3A_49 : i1 to i32
    %sign3A_51 = arith.constant 0 : i32
    %sign3A_52 = arith.cmpi slt, %mul3A_2, %sign3A_51 : i32
    %sign3A_53 = arith.extui %sign3A_52 : i1 to i32
    %sign3A_54 = arith.subi %sign3A_50, %sign3A_53 : i32
    %sign3A_55 = arith.constant 0 : i32
    %sign3A_56 = arith.cmpi sgt, %jit3A_46, %sign3A_55 : i32
    %sign3A_57 = arith.extui %sign3A_56 : i1 to i32
    %sign3A_58 = arith.constant 0 : i32
    %sign3A_59 = arith.cmpi slt, %jit3A_46, %sign3A_58 : i32
    %sign3A_60 = arith.extui %sign3A_59 : i1 to i32
    %sign3A_61 = arith.subi %sign3A_57, %sign3A_60 : i32
    %ne3A_62 = arith.cmpi ne, %sign3A_54, %sign3A_61 : i32
    %rem3A_63 = arith.remsi %mul3A_2, %jit3A_46 : i32
    %ne3A_64 = arith.constant 0 : i32
    %ne3A_65 = arith.cmpi ne, %rem3A_63, %ne3A_64 : i32
    %and3A_66 = arith.andi %ne3A_62, %ne3A_65 : i1
    %sub3A_67 = arith.constant 1 : i32
    %sub3A_68 = arith.subi %div3A_47, %sub3A_67 : i32
    %select_n3A_69 = arith.select %and3A_66, %sub3A_68, %div3A_47 : i32
    %jit3A_70 = arith.constant 8 : i32
    %eq3A = arith.constant 0 : i32
    %eq3A_71 = arith.cmpi eq, %jit3A_70, %eq3A : i32
    %jit3A_72 = arith.constant 1 : i32
    %select_n3A_73 = arith.select %eq3A_71, %jit3A_72, %jit3A_70 : i32
    %rem3A_74 = arith.remsi %mul3A_2, %select_n3A_73 : i32
    %ne3A_75 = arith.constant 0 : i32
    %ne3A_76 = arith.cmpi ne, %rem3A_74, %ne3A_75 : i32
    %lt3A = arith.constant 0 : i32
    %lt3A_77 = arith.cmpi slt, %rem3A_74, %lt3A : i32
    %lt3A_78 = arith.constant 0 : i32
    %lt3A_79 = arith.cmpi slt, %select_n3A_73, %lt3A_78 : i32
    %ne3A_80 = arith.xori %lt3A_77, %lt3A_79 : i1
    %and3A_81 = arith.andi %ne3A_80, %ne3A_76 : i1
    %add3A_82 = arith.addi %rem3A_74, %select_n3A_73 : i32
    %select_n3A_83 = arith.select %and3A_81, %add3A_82, %rem3A_74 : i32
    %mul3A_84 = arith.constant 128 : i32
    %mul3A_85 = arith.muli %select_n3A_83, %mul3A_84 : i32
    %sub3A_86 = arith.subi %select_n3A_69, %min3A_45 : i32
    %add3A_87 = arith.constant 0 : i32
    %add3A_88 = arith.addi %mul3A_85, %add3A_87 : i32
    %get3A = arith.index_cast %sub3A_86 : i32 to index
    %get3A_89 = arith.index_cast %add3A_88 : i32 to index
    %get3A_90 = tpu.vector_load %arg6[%get3A, %get3A_89] {strides = array<i32>} : memref<16x1024xi32, #tpu.memory_space<vmem>>, vector<16xi32>,
    %swap3A = arith.constant 0 : i32
    %swap3A_91 = arith.index_cast %swap3A : i32 to index
    %swap3A_92 = arith.constant 0 : index
    %swap3A_93 = tpu.vector_load %arg8[%swap3A_91, %swap3A_92] {strides = array<i32>} : memref<2x128xi32, #tpu.memory_space<vmem>>, vector<16xi32>,
    tpu.vector_store %arg8[%swap3A_91, %swap3A_92], %get3A_90 {strides = array<i32>} : memref<2x128xi32, #tpu.memory_space<vmem>>, vector<16xi32>,
    %add3A_94 = arith.constant 16 : i32
    %add3A_95 = arith.addi %mul3A_85, %add3A_94 : i32
    %get3A_96 = arith.index_cast %sub3A_86 : i32 to index
    %get3A_97 = arith.index_cast %add3A_95 : i32 to index
    %get3A_98 = tpu.vector_load %arg6[%get3A_96, %get3A_97] {strides = array<i32>} : memref<16x1024xi32, #tpu.memory_space<vmem>>, vector<16xi32>,
    %swap3A_99 = arith.constant 0 : i32
    %swap3A_100 = arith.index_cast %swap3A_99 : i32 to index
    %swap3A_101 = arith.constant 16 : index
    %swap3A_102 = tpu.vector_load %arg8[%swap3A_100, %swap3A_101] {strides = array<i32>} : memref<2x128xi32, #tpu.memory_space<vmem>>, vector<16xi32>,
    tpu.vector_store %arg8[%swap3A_100, %swap3A_101], %get3A_98 {strides = array<i32>} : memref<2x128xi32, #tpu.memory_space<vmem>>, vector<16xi32>,
    %add3A_103 = arith.constant 32 : i32
    %add3A_104 = arith.addi %mul3A_85, %add3A_103 : i32
    %get3A_105 = arith.index_cast %sub3A_86 : i32 to index
    %get3A_106 = arith.index_cast %add3A_104 : i32 to index
    %get3A_107 = tpu.vector_load %arg6[%get3A_105, %get3A_106] {strides = array<i32>} : memref<16x1024xi32, #tpu.memory_space<vmem>>, vector<16xi32>,
    %swap3A_108 = arith.constant 0 : i32
    %swap3A_109 = arith.index_cast %swap3A_108 : i32 to index
    %swap3A_110 = arith.constant 32 : index
    %swap3A_111 = tpu.vector_load %arg8[%swap3A_109, %swap3A_110] {strides = array<i32>} : memref<2x128xi32, #tpu.memory_space<vmem>>, vector<16xi32>,
    tpu.vector_store %arg8[%swap3A_109, %swap3A_110], %get3A_107 {strides = array<i32>} : memref<2x128xi32, #tpu.memory_space<vmem>>, vector<16xi32>,
    %add3A_112 = arith.constant 48 : i32
    %add3A_113 = arith.addi %mul3A_85, %add3A_112 : i32
    %get3A_114 = arith.index_cast %sub3A_86 : i32 to index
    %get3A_115 = arith.index_cast %add3A_113 : i32 to index
    %get3A_116 = tpu.vector_load %arg6[%get3A_114, %get3A_115] {strides = array<i32>} : memref<16x1024xi32, #tpu.memory_space<vmem>>, vector<16xi32>,
    %swap3A_117 = arith.constant 0 : i32
    %swap3A_118 = arith.index_cast %swap3A_117 : i32 to index
    %swap3A_119 = arith.constant 48 : index
    %swap3A_120 = tpu.vector_load %arg8[%swap3A_118, %swap3A_119] {strides = array<i32>} : memref<2x128xi32, #tpu.memory_space<vmem>>, vector<16xi32>,
    tpu.vector_store %arg8[%swap3A_118, %swap3A_119], %get3A_116 {strides = array<i32>} : memref<2x128xi32, #tpu.memory_space<vmem>>, vector<16xi32>,
    %add3A_121 = arith.constant 64 : i32
    %add3A_122 = arith.addi %mul3A_85, %add3A_121 : i32
    %get3A_123 = arith.index_cast %sub3A_86 : i32 to index
    %get3A_124 = arith.index_cast %add3A_122 : i32 to index
    %get3A_125 = tpu.vector_load %arg6[%get3A_123, %get3A_124] {strides = array<i32>} : memref<16x1024xi32, #tpu.memory_space<vmem>>, vector<16xi32>,
    %swap3A_126 = arith.constant 0 : i32
    %swap3A_127 = arith.index_cast %swap3A_126 : i32 to index
    %swap3A_128 = arith.constant 64 : index
    %swap3A_129 = tpu.vector_load %arg8[%swap3A_127, %swap3A_128] {strides = array<i32>} : memref<2x128xi32, #tpu.memory_space<vmem>>, vector<16xi32>,
    tpu.vector_store %arg8[%swap3A_127, %swap3A_128], %get3A_125 {strides = array<i32>} : memref<2x128xi32, #tpu.memory_space<vmem>>, vector<16xi32>,
    %add3A_130 = arith.constant 80 : i32
    %add3A_131 = arith.addi %mul3A_85, %add3A_130 : i32
    %get3A_132 = arith.index_cast %sub3A_86 : i32 to index
    %get3A_133 = arith.index_cast %add3A_131 : i32 to index
    %get3A_134 = tpu.vector_load %arg6[%get3A_132, %get3A_133] {strides = array<i32>} : memref<16x1024xi32, #tpu.memory_space<vmem>>, vector<16xi32>,
    %swap3A_135 = arith.constant 0 : i32
    %swap3A_136 = arith.index_cast %swap3A_135 : i32 to index
    %swap3A_137 = arith.constant 80 : index
    %swap3A_138 = tpu.vector_load %arg8[%swap3A_136, %swap3A_137] {strides = array<i32>} : memref<2x128xi32, #tpu.memory_space<vmem>>, vector<16xi32>,
    tpu.vector_store %arg8[%swap3A_136, %swap3A_137], %get3A_134 {strides = array<i32>} : memref<2x128xi32, #tpu.memory_space<vmem>>, vector<16xi32>,
    %add3A_139 = arith.constant 96 : i32
    %add3A_140 = arith.addi %mul3A_85, %add3A_139 : i32
    %get3A_141 = arith.index_cast %sub3A_86 : i32 to index
    %get3A_142 = arith.index_cast %add3A_140 : i32 to index
    %get3A_143 = tpu.vector_load %arg6[%get3A_141, %get3A_142] {strides = array<i32>} : memref<16x1024xi32, #tpu.memory_space<vmem>>, vector<16xi32>,
    %swap3A_144 = arith.constant 0 : i32
    %swap3A_145 = arith.index_cast %swap3A_144 : i32 to index
    %swap3A_146 = arith.constant 96 : index
    %swap3A_147 = tpu.vector_load %arg8[%swap3A_145, %swap3A_146] {strides = array<i32>} : memref<2x128xi32, #tpu.memory_space<vmem>>, vector<16xi32>,
    tpu.vector_store %arg8[%swap3A_145, %swap3A_146], %get3A_143 {strides = array<i32>} : memref<2x128xi32, #tpu.memory_space<vmem>>, vector<16xi32>,
    %add3A_148 = arith.constant 112 : i32
    %add3A_149 = arith.addi %mul3A_85, %add3A_148 : i32
    %get3A_150 = arith.index_cast %sub3A_86 : i32 to index
    %get3A_151 = arith.index_cast %add3A_149 : i32 to index
    %get3A_152 = tpu.vector_load %arg6[%get3A_150, %get3A_151] {strides = array<i32>} : memref<16x1024xi32, #tpu.memory_space<vmem>>, vector<16xi32>,
    %swap3A_153 = arith.constant 0 : i32
    %swap3A_154 = arith.index_cast %swap3A_153 : i32 to index
    %swap3A_155 = arith.constant 112 : index
    %swap3A_156 = tpu.vector_load %arg8[%swap3A_154, %swap3A_155] {strides = array<i32>} : memref<2x128xi32, #tpu.memory_space<vmem>>, vector<16xi32>,
    tpu.vector_store %arg8[%swap3A_154, %swap3A_155], %get3A_152 {strides = array<i32>} : memref<2x128xi32, #tpu.memory_space<vmem>>, vector<16xi32>,
    %dma_start3A = arith.constant 0 : i32
    %dma_start3A_157 = arith.constant 0 : i32
    %dma_start3A_158 = arith.constant 0 : i32
    %dma_start3A_159 = arith.constant 0 : i32
    %dma_start3A_160 = tpu.memref_slice %arg9[%dma_start3A_157, %dma_start3A_158, %dma_start3A_159] : memref<2x128x128xf32, #tpu.memory_space<vmem>> -> memref<1x128x128xf32, #tpu.memory_space<vmem>>
    %dma_start3A_161 = tpu.memref_squeeze %dma_start3A_160 : memref<1x128x128xf32, #tpu.memory_space<vmem>> -> memref<128x128xf32, #tpu.memory_space<vmem>>
    %dma_start3A_162 = arith.constant 0 : i32
    %dma_start3A_163 = tpu.memref_slice %arg8[%dma_start3A, %dma_start3A_162] : memref<2x128xi32, #tpu.memory_space<vmem>> -> memref<1x128xi32, #tpu.memory_space<vmem>>
    %dma_start3A_164 = tpu.memref_squeeze %dma_start3A_163 : memref<1x128xi32, #tpu.memory_space<vmem>> -> memref<128xi32, #tpu.memory_space<vmem>>
    %dma_start3A_165 = arith.constant 0 : i32
    %dma_start3A_166 = arith.constant 0 : i32
    %dma_start3A_167 = tpu.memref_slice %arg2[%dma_start3A_165, %dma_start3A_166] : memref<1000000x128xf32, #tpu.memory_space<hbm>> -> memref<1000000x128xf32, #tpu.memory_space<hbm>>
    tpu.enqueue_indirect_dma source(%dma_start3A_167 : memref<1000000x128xf32, #tpu.memory_space<hbm>>) target(%dma_start3A_161 : memref<128x128xf32, #tpu.memory_space<vmem>>) offsets(%dma_start3A_164 : memref<128xi32, #tpu.memory_space<vmem>>) semaphore(%arg11 : memref<!tpu.dma_semaphore, #tpu.memory_space<semaphore_mem>>)
    %add3A_168 = arith.constant 1 : i32
    %add3A_169 = arith.addi %mul3A_2, %add3A_168 : i32
    %jit3A_170 = arith.constant 8 : i32
    %div3A_171 = arith.divsi %add3A_169, %jit3A_170 : i32
    %sign3A_172 = arith.constant 0 : i32
    %sign3A_173 = arith.cmpi sgt, %add3A_169, %sign3A_172 : i32
    %sign3A_174 = arith.extui %sign3A_173 : i1 to i32
    %sign3A_175 = arith.constant 0 : i32
    %sign3A_176 = arith.cmpi slt, %add3A_169, %sign3A_175 : i32
    %sign3A_177 = arith.extui %sign3A_176 : i1 to i32
    %sign3A_178 = arith.subi %sign3A_174, %sign3A_177 : i32
    %sign3A_179 = arith.constant 0 : i32
    %sign3A_180 = arith.cmpi sgt, %jit3A_170, %sign3A_179 : i32
    %sign3A_181 = arith.extui %sign3A_180 : i1 to i32
    %sign3A_182 = arith.constant 0 : i32
    %sign3A_183 = arith.cmpi slt, %jit3A_170, %sign3A_182 : i32
    %sign3A_184 = arith.extui %sign3A_183 : i1 to i32
    %sign3A_185 = arith.subi %sign3A_181, %sign3A_184 : i32
    %ne3A_186 = arith.cmpi ne, %sign3A_178, %sign3A_185 : i32
    %rem3A_187 = arith.remsi %add3A_169, %jit3A_170 : i32
    %ne3A_188 = arith.constant 0 : i32
    %ne3A_189 = arith.cmpi ne, %rem3A_187, %ne3A_188 : i32
    %and3A_190 = arith.andi %ne3A_186, %ne3A_189 : i1
    %sub3A_191 = arith.constant 1 : i32
    %sub3A_192 = arith.subi %div3A_171, %sub3A_191 : i32
    %select_n3A_193 = arith.select %and3A_190, %sub3A_192, %div3A_171 : i32
    %jit3A_194 = arith.constant 8 : i32
    %eq3A_195 = arith.constant 0 : i32
    %eq3A_196 = arith.cmpi eq, %jit3A_194, %eq3A_195 : i32
    %jit3A_197 = arith.constant 1 : i32
    %select_n3A_198 = arith.select %eq3A_196, %jit3A_197, %jit3A_194 : i32
    %rem3A_199 = arith.remsi %add3A_169, %select_n3A_198 : i32
    %ne3A_200 = arith.constant 0 : i32
    %ne3A_201 = arith.cmpi ne, %rem3A_199, %ne3A_200 : i32
    %lt3A_202 = arith.constant 0 : i32
    %lt3A_203 = arith.cmpi slt, %rem3A_199, %lt3A_202 : i32
    %lt3A_204 = arith.constant 0 : i32
    %lt3A_205 = arith.cmpi slt, %select_n3A_198, %lt3A_204 : i32
    %ne3A_206 = arith.xori %lt3A_203, %lt3A_205 : i1
    %and3A_207 = arith.andi %ne3A_206, %ne3A_201 : i1
    %add3A_208 = arith.addi %rem3A_199, %select_n3A_198 : i32
    %select_n3A_209 = arith.select %and3A_207, %add3A_208, %rem3A_199 : i32
    %mul3A_210 = arith.constant 128 : i32
    %mul3A_211 = arith.muli %select_n3A_209, %mul3A_210 : i32
    %sub3A_212 = arith.subi %select_n3A_193, %min3A_45 : i32
    %add3A_213 = arith.constant 0 : i32
    %add3A_214 = arith.addi %mul3A_211, %add3A_213 : i32
    %get3A_215 = arith.index_cast %sub3A_212 : i32 to index
    %get3A_216 = arith.index_cast %add3A_214 : i32 to index
    %get3A_217 = tpu.vector_load %arg6[%get3A_215, %get3A_216] {strides = array<i32>} : memref<16x1024xi32, #tpu.memory_space<vmem>>, vector<16xi32>,
    %swap3A_218 = arith.constant 1 : i32
    %swap3A_219 = arith.index_cast %swap3A_218 : i32 to index
    %swap3A_220 = arith.constant 0 : index
    %swap3A_221 = tpu.vector_load %arg8[%swap3A_219, %swap3A_220] {strides = array<i32>} : memref<2x128xi32, #tpu.memory_space<vmem>>, vector<16xi32>,
    tpu.vector_store %arg8[%swap3A_219, %swap3A_220], %get3A_217 {strides = array<i32>} : memref<2x128xi32, #tpu.memory_space<vmem>>, vector<16xi32>,
    %add3A_222 = arith.constant 16 : i32
    %add3A_223 = arith.addi %mul3A_211, %add3A_222 : i32
    %get3A_224 = arith.index_cast %sub3A_212 : i32 to index
    %get3A_225 = arith.index_cast %add3A_223 : i32 to index
    %get3A_226 = tpu.vector_load %arg6[%get3A_224, %get3A_225] {strides = array<i32>} : memref<16x1024xi32, #tpu.memory_space<vmem>>, vector<16xi32>,
    %swap3A_227 = arith.constant 1 : i32
    %swap3A_228 = arith.index_cast %swap3A_227 : i32 to index
    %swap3A_229 = arith.constant 16 : index
    %swap3A_230 = tpu.vector_load %arg8[%swap3A_228, %swap3A_229] {strides = array<i32>} : memref<2x128xi32, #tpu.memory_space<vmem>>, vector<16xi32>,
    tpu.vector_store %arg8[%swap3A_228, %swap3A_229], %get3A_226 {strides = array<i32>} : memref<2x128xi32, #tpu.memory_space<vmem>>, vector<16xi32>,
    %add3A_231 = arith.constant 32 : i32
    %add3A_232 = arith.addi %mul3A_211, %add3A_231 : i32
    %get3A_233 = arith.index_cast %sub3A_212 : i32 to index
    %get3A_234 = arith.index_cast %add3A_232 : i32 to index
    %get3A_235 = tpu.vector_load %arg6[%get3A_233, %get3A_234] {strides = array<i32>} : memref<16x1024xi32, #tpu.memory_space<vmem>>, vector<16xi32>,
    %swap3A_236 = arith.constant 1 : i32
    %swap3A_237 = arith.index_cast %swap3A_236 : i32 to index
    %swap3A_238 = arith.constant 32 : index
    %swap3A_239 = tpu.vector_load %arg8[%swap3A_237, %swap3A_238] {strides = array<i32>} : memref<2x128xi32, #tpu.memory_space<vmem>>, vector<16xi32>,
    tpu.vector_store %arg8[%swap3A_237, %swap3A_238], %get3A_235 {strides = array<i32>} : memref<2x128xi32, #tpu.memory_space<vmem>>, vector<16xi32>,
    %add3A_240 = arith.constant 48 : i32
    %add3A_241 = arith.addi %mul3A_211, %add3A_240 : i32
    %get3A_242 = arith.index_cast %sub3A_212 : i32 to index
    %get3A_243 = arith.index_cast %add3A_241 : i32 to index
    %get3A_244 = tpu.vector_load %arg6[%get3A_242, %get3A_243] {strides = array<i32>} : memref<16x1024xi32, #tpu.memory_space<vmem>>, vector<16xi32>,
    %swap3A_245 = arith.constant 1 : i32
    %swap3A_246 = arith.index_cast %swap3A_245 : i32 to index
    %swap3A_247 = arith.constant 48 : index
    %swap3A_248 = tpu.vector_load %arg8[%swap3A_246, %swap3A_247] {strides = array<i32>} : memref<2x128xi32, #tpu.memory_space<vmem>>, vector<16xi32>,
    tpu.vector_store %arg8[%swap3A_246, %swap3A_247], %get3A_244 {strides = array<i32>} : memref<2x128xi32, #tpu.memory_space<vmem>>, vector<16xi32>,
    %add3A_249 = arith.constant 64 : i32
    %add3A_250 = arith.addi %mul3A_211, %add3A_249 : i32
    %get3A_251 = arith.index_cast %sub3A_212 : i32 to index
    %get3A_252 = arith.index_cast %add3A_250 : i32 to index
    %get3A_253 = tpu.vector_load %arg6[%get3A_251, %get3A_252] {strides = array<i32>} : memref<16x1024xi32, #tpu.memory_space<vmem>>, vector<16xi32>,
    %swap3A_254 = arith.constant 1 : i32
    %swap3A_255 = arith.index_cast %swap3A_254 : i32 to index
    %swap3A_256 = arith.constant 64 : index
    %swap3A_257 = tpu.vector_load %arg8[%swap3A_255, %swap3A_256] {strides = array<i32>} : memref<2x128xi32, #tpu.memory_space<vmem>>, vector<16xi32>,
    tpu.vector_store %arg8[%swap3A_255, %swap3A_256], %get3A_253 {strides = array<i32>} : memref<2x128xi32, #tpu.memory_space<vmem>>, vector<16xi32>,
    %add3A_258 = arith.constant 80 : i32
    %add3A_259 = arith.addi %mul3A_211, %add3A_258 : i32
    %get3A_260 = arith.index_cast %sub3A_212 : i32 to index
    %get3A_261 = arith.index_cast %add3A_259 : i32 to index
    %get3A_262 = tpu.vector_load %arg6[%get3A_260, %get3A_261] {strides = array<i32>} : memref<16x1024xi32, #tpu.memory_space<vmem>>, vector<16xi32>,
    %swap3A_263 = arith.constant 1 : i32
    %swap3A_264 = arith.index_cast %swap3A_263 : i32 to index
    %swap3A_265 = arith.constant 80 : index
    %swap3A_266 = tpu.vector_load %arg8[%swap3A_264, %swap3A_265] {strides = array<i32>} : memref<2x128xi32, #tpu.memory_space<vmem>>, vector<16xi32>,
    tpu.vector_store %arg8[%swap3A_264, %swap3A_265], %get3A_262 {strides = array<i32>} : memref<2x128xi32, #tpu.memory_space<vmem>>, vector<16xi32>,
    %add3A_267 = arith.constant 96 : i32
    %add3A_268 = arith.addi %mul3A_211, %add3A_267 : i32
    %get3A_269 = arith.index_cast %sub3A_212 : i32 to index
    %get3A_270 = arith.index_cast %add3A_268 : i32 to index
    %get3A_271 = tpu.vector_load %arg6[%get3A_269, %get3A_270] {strides = array<i32>} : memref<16x1024xi32, #tpu.memory_space<vmem>>, vector<16xi32>,
    %swap3A_272 = arith.constant 1 : i32
    %swap3A_273 = arith.index_cast %swap3A_272 : i32 to index
    %swap3A_274 = arith.constant 96 : index
    %swap3A_275 = tpu.vector_load %arg8[%swap3A_273, %swap3A_274] {strides = array<i32>} : memref<2x128xi32, #tpu.memory_space<vmem>>, vector<16xi32>,
    tpu.vector_store %arg8[%swap3A_273, %swap3A_274], %get3A_271 {strides = array<i32>} : memref<2x128xi32, #tpu.memory_space<vmem>>, vector<16xi32>,
    %add3A_276 = arith.constant 112 : i32
    %add3A_277 = arith.addi %mul3A_211, %add3A_276 : i32
    %get3A_278 = arith.index_cast %sub3A_212 : i32 to index
    %get3A_279 = arith.index_cast %add3A_277 : i32 to index
    %get3A_280 = tpu.vector_load %arg6[%get3A_278, %get3A_279] {strides = array<i32>} : memref<16x1024xi32, #tpu.memory_space<vmem>>, vector<16xi32>,
    %swap3A_281 = arith.constant 1 : i32
    %swap3A_282 = arith.index_cast %swap3A_281 : i32 to index
    %swap3A_283 = arith.constant 112 : index
    %swap3A_284 = tpu.vector_load %arg8[%swap3A_282, %swap3A_283] {strides = array<i32>} : memref<2x128xi32, #tpu.memory_space<vmem>>, vector<16xi32>,
    tpu.vector_store %arg8[%swap3A_282, %swap3A_283], %get3A_280 {strides = array<i32>} : memref<2x128xi32, #tpu.memory_space<vmem>>, vector<16xi32>,
    %add3A_285 = arith.constant 1 : i32
    %add3A_286 = arith.addi %mul3A_2, %add3A_285 : i32
    %dma_start3A_287 = arith.constant 1 : i32
    %dma_start3A_288 = arith.constant 1 : i32
    %dma_start3A_289 = arith.constant 0 : i32
    %dma_start3A_290 = arith.constant 0 : i32
    %dma_start3A_291 = tpu.memref_slice %arg9[%dma_start3A_288, %dma_start3A_289, %dma_start3A_290] : memref<2x128x128xf32, #tpu.memory_space<vmem>> -> memref<1x128x128xf32, #tpu.memory_space<vmem>>
    %dma_start3A_292 = tpu.memref_squeeze %dma_start3A_291 : memref<1x128x128xf32, #tpu.memory_space<vmem>> -> memref<128x128xf32, #tpu.memory_space<vmem>>
    %dma_start3A_293 = arith.constant 0 : i32
    %dma_start3A_294 = tpu.memref_slice %arg8[%dma_start3A_287, %dma_start3A_293] : memref<2x128xi32, #tpu.memory_space<vmem>> -> memref<1x128xi32, #tpu.memory_space<vmem>>
    %dma_start3A_295 = tpu.memref_squeeze %dma_start3A_294 : memref<1x128xi32, #tpu.memory_space<vmem>> -> memref<128xi32, #tpu.memory_space<vmem>>
    %dma_start3A_296 = arith.constant 0 : i32
    %dma_start3A_297 = arith.constant 0 : i32
    %dma_start3A_298 = tpu.memref_slice %arg2[%dma_start3A_296, %dma_start3A_297] : memref<1000000x128xf32, #tpu.memory_space<hbm>> -> memref<1000000x128xf32, #tpu.memory_space<hbm>>
    tpu.enqueue_indirect_dma source(%dma_start3A_298 : memref<1000000x128xf32, #tpu.memory_space<hbm>>) target(%dma_start3A_292 : memref<128x128xf32, #tpu.memory_space<vmem>>) offsets(%dma_start3A_295 : memref<128xi32, #tpu.memory_space<vmem>>) semaphore(%arg12 : memref<!tpu.dma_semaphore, #tpu.memory_space<semaphore_mem>>)
    %scan3A = arith.constant 0 : i32
    %scan3A_299 = arith.constant 25 : i32
    %scan3A_300 = arith.addi %scan3A, %scan3A_299 : i32
    %scan3A_301 = arith.constant 1 : i32
    scf.for %scan3A_424 = %scan3A to %scan3A_300 step %scan3A_301  : i32 {
      %mul3A_425 = arith.constant 2 : i32
      %mul3A_426 = arith.muli %scan3A_424, %mul3A_425 : i32
      %add3A_427 = arith.constant 0 : i32
      %add3A_428 = arith.addi %add3A_427, %mul3A_426 : i32
      %add3A_429 = arith.constant 0 : i32
      %add3A_430 = arith.addi %add3A_428, %add3A_429 : i32
      %add3A_431 = arith.addi %mul3A_2, %add3A_430 : i32
      %jit3A_432 = arith.constant 8 : i32
      %div3A_433 = arith.divsi %add3A_431, %jit3A_432 : i32
      %sign3A_434 = arith.constant 0 : i32
      %sign3A_435 = arith.cmpi sgt, %add3A_431, %sign3A_434 : i32
      %sign3A_436 = arith.extui %sign3A_435 : i1 to i32
      %sign3A_437 = arith.constant 0 : i32
      %sign3A_438 = arith.cmpi slt, %add3A_431, %sign3A_437 : i32
      %sign3A_439 = arith.extui %sign3A_438 : i1 to i32
      %sign3A_440 = arith.subi %sign3A_436, %sign3A_439 : i32
      %sign3A_441 = arith.constant 0 : i32
      %sign3A_442 = arith.cmpi sgt, %jit3A_432, %sign3A_441 : i32
      %sign3A_443 = arith.extui %sign3A_442 : i1 to i32
      %sign3A_444 = arith.constant 0 : i32
      %sign3A_445 = arith.cmpi slt, %jit3A_432, %sign3A_444 : i32
      %sign3A_446 = arith.extui %sign3A_445 : i1 to i32
      %sign3A_447 = arith.subi %sign3A_443, %sign3A_446 : i32
      %ne3A_448 = arith.cmpi ne, %sign3A_440, %sign3A_447 : i32
      %rem3A_449 = arith.remsi %add3A_431, %jit3A_432 : i32
      %ne3A_450 = arith.constant 0 : i32
      %ne3A_451 = arith.cmpi ne, %rem3A_449, %ne3A_450 : i32
      %and3A_452 = arith.andi %ne3A_448, %ne3A_451 : i1
      %sub3A_453 = arith.constant 1 : i32
      %sub3A_454 = arith.subi %div3A_433, %sub3A_453 : i32
      %select_n3A_455 = arith.select %and3A_452, %sub3A_454, %div3A_433 : i32
      %jit3A_456 = arith.constant 8 : i32
      %eq3A_457 = arith.constant 0 : i32
      %eq3A_458 = arith.cmpi eq, %jit3A_456, %eq3A_457 : i32
      %jit3A_459 = arith.constant 1 : i32
      %select_n3A_460 = arith.select %eq3A_458, %jit3A_459, %jit3A_456 : i32
      %rem3A_461 = arith.remsi %add3A_431, %select_n3A_460 : i32
      %ne3A_462 = arith.constant 0 : i32
      %ne3A_463 = arith.cmpi ne, %rem3A_461, %ne3A_462 : i32
      %lt3A_464 = arith.constant 0 : i32
      %lt3A_465 = arith.cmpi slt, %rem3A_461, %lt3A_464 : i32
      %lt3A_466 = arith.constant 0 : i32
      %lt3A_467 = arith.cmpi slt, %select_n3A_460, %lt3A_466 : i32
      %ne3A_468 = arith.xori %lt3A_465, %lt3A_467 : i1
      %and3A_469 = arith.andi %ne3A_468, %ne3A_463 : i1
      %add3A_470 = arith.addi %rem3A_461, %select_n3A_460 : i32
      %select_n3A_471 = arith.select %and3A_469, %add3A_470, %rem3A_461 : i32
      %mul3A_472 = arith.constant 128 : i32
      %mul3A_473 = arith.muli %select_n3A_471, %mul3A_472 : i32
      %dma_wait3A_474 = arith.constant 0 : i32
      %dma_wait3A_475 = arith.constant 0 : i32
      %dma_wait3A_476 = arith.constant 0 : i32
      %dma_wait3A_477 = arith.constant 0 : i32
      %dma_wait3A_478 = tpu.memref_slice %arg9[%dma_wait3A_475, %dma_wait3A_476, %dma_wait3A_477] : memref<2x128x128xf32, #tpu.memory_space<vmem>> -> memref<1x128x128xf32, #tpu.memory_space<vmem>>
      %dma_wait3A_479 = tpu.memref_squeeze %dma_wait3A_478 : memref<1x128x128xf32, #tpu.memory_space<vmem>> -> memref<128x128xf32, #tpu.memory_space<vmem>>
      %dma_wait3A_480 = arith.constant 0 : i32
      %dma_wait3A_481 = tpu.memref_slice %arg8[%dma_wait3A_474, %dma_wait3A_480] : memref<2x128xi32, #tpu.memory_space<vmem>> -> memref<1x128xi32, #tpu.memory_space<vmem>>
      %dma_wait3A_482 = tpu.memref_squeeze %dma_wait3A_481 : memref<1x128xi32, #tpu.memory_space<vmem>> -> memref<128xi32, #tpu.memory_space<vmem>>
      %dma_wait3A_483 = arith.constant 0 : i32
      %dma_wait3A_484 = arith.constant 0 : i32
      %dma_wait3A_485 = tpu.memref_slice %arg2[%dma_wait3A_483, %dma_wait3A_484] : memref<1000000x128xf32, #tpu.memory_space<hbm>> -> memref<1000000x128xf32, #tpu.memory_space<hbm>>
      tpu.wait_indirect_dma semaphore(%arg11 : memref<!tpu.dma_semaphore, #tpu.memory_space<semaphore_mem>>) src(%dma_wait3A_485 : memref<1000000x128xf32, #tpu.memory_space<hbm>>) dst(%dma_wait3A_479 : memref<128x128xf32, #tpu.memory_space<vmem>>)
      %ge3A = arith.constant 2 : i32
      %ge3A_486 = arith.cmpi sge, %add3A_430, %ge3A : i32
      %convert_element_type3A = arith.extui %ge3A_486 : i1 to i32
      %cond3A = arith.constant 0 : i32
      %cond3A_487 = arith.cmpi ne, %convert_element_type3A, %cond3A : i32
      scf.if %cond3A_487 {
        %sub3A_710 = arith.constant 2 : i32
        %sub3A_711 = arith.subi %add3A_431, %sub3A_710 : i32
        %jit3A_712 = arith.constant 8 : i32
        %div3A_713 = arith.divsi %sub3A_711, %jit3A_712 : i32
        %sign3A_714 = arith.constant 0 : i32
        %sign3A_715 = arith.cmpi sgt, %sub3A_711, %sign3A_714 : i32
        %sign3A_716 = arith.extui %sign3A_715 : i1 to i32
        %sign3A_717 = arith.constant 0 : i32
        %sign3A_718 = arith.cmpi slt, %sub3A_711, %sign3A_717 : i32
        %sign3A_719 = arith.extui %sign3A_718 : i1 to i32
        %sign3A_720 = arith.subi %sign3A_716, %sign3A_719 : i32
        %sign3A_721 = arith.constant 0 : i32
        %sign3A_722 = arith.cmpi sgt, %jit3A_712, %sign3A_721 : i32
        %sign3A_723 = arith.extui %sign3A_722 : i1 to i32
        %sign3A_724 = arith.constant 0 : i32
        %sign3A_725 = arith.cmpi slt, %jit3A_712, %sign3A_724 : i32
        %sign3A_726 = arith.extui %sign3A_725 : i1 to i32
        %sign3A_727 = arith.subi %sign3A_723, %sign3A_726 : i32
        %ne3A_728 = arith.cmpi ne, %sign3A_720, %sign3A_727 : i32
        %rem3A_729 = arith.remsi %sub3A_711, %jit3A_712 : i32
        %ne3A_730 = arith.constant 0 : i32
        %ne3A_731 = arith.cmpi ne, %rem3A_729, %ne3A_730 : i32
        %and3A_732 = arith.andi %ne3A_728, %ne3A_731 : i1
        %sub3A_733 = arith.constant 1 : i32
        %sub3A_734 = arith.subi %div3A_713, %sub3A_733 : i32
        %select_n3A_735 = arith.select %and3A_732, %sub3A_734, %div3A_713 : i32
        %jit3A_736 = arith.constant 8 : i32
        %eq3A_737 = arith.constant 0 : i32
        %eq3A_738 = arith.cmpi eq, %jit3A_736, %eq3A_737 : i32
        %jit3A_739 = arith.constant 1 : i32
        %select_n3A_740 = arith.select %eq3A_738, %jit3A_739, %jit3A_736 : i32
        %rem3A_741 = arith.remsi %sub3A_711, %select_n3A_740 : i32
        %ne3A_742 = arith.constant 0 : i32
        %ne3A_743 = arith.cmpi ne, %rem3A_741, %ne3A_742 : i32
        %lt3A_744 = arith.constant 0 : i32
        %lt3A_745 = arith.cmpi slt, %rem3A_741, %lt3A_744 : i32
        %lt3A_746 = arith.constant 0 : i32
        %lt3A_747 = arith.cmpi slt, %select_n3A_740, %lt3A_746 : i32
        %ne3A_748 = arith.xori %lt3A_745, %lt3A_747 : i1
        %and3A_749 = arith.andi %ne3A_748, %ne3A_743 : i1
        %add3A_750 = arith.addi %rem3A_741, %select_n3A_740 : i32
        %select_n3A_751 = arith.select %and3A_749, %add3A_750, %rem3A_741 : i32
        %mul3A_752 = arith.constant 128 : i32
        %mul3A_753 = arith.muli %select_n3A_751, %mul3A_752 : i32
        %dma_wait3A_754 = arith.constant 0 : i32
        %dma_wait3A_755 = arith.constant 0 : i32
        %dma_wait3A_756 = arith.constant 0 : i32
        %dma_wait3A_757 = tpu.memref_slice %arg10[%dma_wait3A_754, %dma_wait3A_755, %dma_wait3A_756] : memref<2x64x128xf32, #tpu.memory_space<vmem>> -> memref<1x64x128xf32, #tpu.memory_space<vmem>>
        %dma_wait3A_758 = tpu.memref_squeeze %dma_wait3A_757 : memref<1x64x128xf32, #tpu.memory_space<vmem>> -> memref<64x128xf32, #tpu.memory_space<vmem>>
        %dma_wait3A_759 = arith.constant 0 : i32
        %dma_wait3A_760 = tpu.memref_slice %arg5[%select_n3A_735, %dma_wait3A_759, %mul3A_753] : memref<200x64x1024xf32, #tpu.memory_space<hbm>> -> memref<1x64x128xf32, #tpu.memory_space<hbm>>
        %dma_wait3A_761 = tpu.memref_squeeze %dma_wait3A_760 : memref<1x64x128xf32, #tpu.memory_space<hbm>> -> memref<64x128xf32, #tpu.memory_space<hbm>>
        %dma_wait3A_762 = arith.constant 0 : i32
        %dma_wait3A_763 = tpu.memref_slice %arg5[%select_n3A_735, %dma_wait3A_762, %mul3A_753] : memref<200x64x1024xf32, #tpu.memory_space<hbm>> -> memref<1x64x128xf32, #tpu.memory_space<hbm>>
        %dma_wait3A_764 = tpu.memref_squeeze %dma_wait3A_763 : memref<1x64x128xf32, #tpu.memory_space<hbm>> -> memref<64x128xf32, #tpu.memory_space<hbm>>
        %dma_wait3A_765 = arith.constant 0 : i32
        %dma_wait3A_766 = arith.constant 0 : i32
        %dma_wait3A_767 = tpu.memref_slice %arg10[%dma_wait3A_754, %dma_wait3A_765, %dma_wait3A_766] : memref<2x64x128xf32, #tpu.memory_space<vmem>> -> memref<1x64x128xf32, #tpu.memory_space<vmem>>
        %dma_wait3A_768 = tpu.memref_squeeze %dma_wait3A_767 : memref<1x64x128xf32, #tpu.memory_space<vmem>> -> memref<64x128xf32, #tpu.memory_space<vmem>>
        tpu.wait_dma2 semaphore(%arg13 : memref<!tpu.dma_semaphore, #tpu.memory_space<semaphore_mem>>) src(%dma_wait3A_768 : memref<64x128xf32, #tpu.memory_space<vmem>>) dst(%dma_wait3A_764 : memref<64x128xf32, #tpu.memory_space<hbm>>)
      } else {
      }
      %get3A_488 = arith.index_cast %select_n3A_455 : i32 to index
      %get3A_489 = arith.constant 0 : index
      %get3A_490 = tpu.vector_load %arg7[%get3A_488, %get3A_489] {strides = array<i32>} : memref<200x64xf32, #tpu.memory_space<vmem>>, vector<16xf32>,
      %get3A_491 = arith.index_cast %select_n3A_455 : i32 to index
      %get3A_492 = arith.constant 16 : index
      %get3A_493 = tpu.vector_load %arg7[%get3A_491, %get3A_492] {strides = array<i32>} : memref<200x64xf32, #tpu.memory_space<vmem>>, vector<16xf32>,
      %get3A_494 = arith.index_cast %select_n3A_455 : i32 to index
      %get3A_495 = arith.constant 32 : index
      %get3A_496 = tpu.vector_load %arg7[%get3A_494, %get3A_495] {strides = array<i32>} : memref<200x64xf32, #tpu.memory_space<vmem>>, vector<16xf32>,
      %get3A_497 = arith.index_cast %select_n3A_455 : i32 to index
      %get3A_498 = arith.constant 48 : index
      %get3A_499 = tpu.vector_load %arg7[%get3A_497, %get3A_498] {strides = array<i32>} : memref<200x64xf32, #tpu.memory_space<vmem>>, vector<16xf32>,
      %scan3A_500 = arith.constant 0 : i32
      %scan3A_501 = arith.constant 0 : i32
      %scan3A_502 = arith.constant 128 : i32
      %scan3A_503 = arith.addi %scan3A_501, %scan3A_502 : i32
      %scan3A_504 = arith.constant 4 : i32
      scf.for %scan3A_710 = %scan3A_501 to %scan3A_503 step %scan3A_504  : i32 {
        %mul3A_711 = arith.constant 1 : i32
        %mul3A_712 = arith.muli %scan3A_710, %mul3A_711 : i32
        %add3A_713 = arith.constant 0 : i32
        %add3A_714 = arith.addi %add3A_713, %mul3A_712 : i32
        %broadcast_in_dim3A = vector.broadcast %add3A_714 : i32 to vector<16xi32>
        %get3A_715 = arith.constant 0 : i32
        %get3A_716 = arith.index_cast %get3A_715 : i32 to index
        %get3A_717 = arith.index_cast %add3A_714 : i32 to index
        %get3A_718 = arith.constant 0 : index
        %get3A_719 = tpu.vector_load %arg9[%get3A_716, %get3A_717, %get3A_718] {strides = array<i32>} : memref<2x128x128xf32, #tpu.memory_space<vmem>>, vector<16xf32>,
        %add3A_720 = arith.addf %get3A_719, %get3A_490 : vector<16xf32>
        %add3A_721 = arith.constant 0 : i32
        %add3A_722 = vector.broadcast %add3A_721 : i32 to vector<16xi32>
        %add3A_723 = arith.addi %iota3A, %add3A_722 : vector<16xi32>
        %scatter3A = arith.constant 0 : i32
        %scatter3A_724 = arith.constant 0 : i32
        %scatter3A_725 = tpu.memref_slice %arg10[%scan3A_500, %scatter3A, %scatter3A_724] : memref<2x64x128xf32, #tpu.memory_space<vmem>> -> memref<1x64x128xf32, #tpu.memory_space<vmem>>
        %scatter3A_726 = tpu.memref_squeeze %scatter3A_725 : memref<1x64x128xf32, #tpu.memory_space<vmem>> -> memref<64x128xf32, #tpu.memory_space<vmem>>
        tpu.vector_store_idx %scatter3A_726[%add3A_723, %broadcast_in_dim3A], %add3A_720 : memref<64x128xf32, #tpu.memory_space<vmem>>[vector<16xi32>, vector<16xi32>], vector<16xf32>,
        %get3A_727 = arith.constant 0 : i32
        %get3A_728 = arith.index_cast %get3A_727 : i32 to index
        %get3A_729 = arith.index_cast %add3A_714 : i32 to index
        %get3A_730 = arith.constant 16 : index
        %get3A_731 = tpu.vector_load %arg9[%get3A_728, %get3A_729, %get3A_730] {strides = array<i32>} : memref<2x128x128xf32, #tpu.memory_space<vmem>>, vector<16xf32>,
        %add3A_732 = arith.addf %get3A_731, %get3A_493 : vector<16xf32>
        %add3A_733 = arith.constant 16 : i32
        %add3A_734 = vector.broadcast %add3A_733 : i32 to vector<16xi32>
        %add3A_735 = arith.addi %iota3A, %add3A_734 : vector<16xi32>
        %scatter3A_736 = arith.constant 0 : i32
        %scatter3A_737 = arith.constant 0 : i32
        %scatter3A_738 = tpu.memref_slice %arg10[%scan3A_500, %scatter3A_736, %scatter3A_737] : memref<2x64x128xf32, #tpu.memory_space<vmem>> -> memref<1x64x128xf32, #tpu.memory_space<vmem>>
        %scatter3A_739 = tpu.memref_squeeze %scatter3A_738 : memref<1x64x128xf32, #tpu.memory_space<vmem>> -> memref<64x128xf32, #tpu.memory_space<vmem>>
        tpu.vector_store_idx %scatter3A_739[%add3A_735, %broadcast_in_dim3A], %add3A_732 : memref<64x128xf32, #tpu.memory_space<vmem>>[vector<16xi32>, vector<16xi32>], vector<16xf32>,
        %get3A_740 = arith.constant 0 : i32
        %get3A_741 = arith.index_cast %get3A_740 : i32 to index
        %get3A_742 = arith.index_cast %add3A_714 : i32 to index
        %get3A_743 = arith.constant 32 : index
        %get3A_744 = tpu.vector_load %arg9[%get3A_741, %get3A_742, %get3A_743] {strides = array<i32>} : memref<2x128x128xf32, #tpu.memory_space<vmem>>, vector<16xf32>,
        %add3A_745 = arith.addf %get3A_744, %get3A_496 : vector<16xf32>
        %add3A_746 = arith.constant 32 : i32
        %add3A_747 = vector.broadcast %add3A_746 : i32 to vector<16xi32>
        %add3A_748 = arith.addi %iota3A, %add3A_747 : vector<16xi32>
        %scatter3A_749 = arith.constant 0 : i32
        %scatter3A_750 = arith.constant 0 : i32
        %scatter3A_751 = tpu.memref_slice %arg10[%scan3A_500, %scatter3A_749, %scatter3A_750] : memref<2x64x128xf32, #tpu.memory_space<vmem>> -> memref<1x64x128xf32, #tpu.memory_space<vmem>>
        %scatter3A_752 = tpu.memref_squeeze %scatter3A_751 : memref<1x64x128xf32, #tpu.memory_space<vmem>> -> memref<64x128xf32, #tpu.memory_space<vmem>>
        tpu.vector_store_idx %scatter3A_752[%add3A_748, %broadcast_in_dim3A], %add3A_745 : memref<64x128xf32, #tpu.memory_space<vmem>>[vector<16xi32>, vector<16xi32>], vector<16xf32>,
        %get3A_753 = arith.constant 0 : i32
        %get3A_754 = arith.index_cast %get3A_753 : i32 to index
        %get3A_755 = arith.index_cast %add3A_714 : i32 to index
        %get3A_756 = arith.constant 48 : index
        %get3A_757 = tpu.vector_load %arg9[%get3A_754, %get3A_755, %get3A_756] {strides = array<i32>} : memref<2x128x128xf32, #tpu.memory_space<vmem>>, vector<16xf32>,
        %add3A_758 = arith.addf %get3A_757, %get3A_499 : vector<16xf32>
        %add3A_759 = arith.constant 48 : i32
        %add3A_760 = vector.broadcast %add3A_759 : i32 to vector<16xi32>
        %add3A_761 = arith.addi %iota3A, %add3A_760 : vector<16xi32>
        %scatter3A_762 = arith.constant 0 : i32
        %scatter3A_763 = arith.constant 0 : i32
        %scatter3A_764 = tpu.memref_slice %arg10[%scan3A_500, %scatter3A_762, %scatter3A_763] : memref<2x64x128xf32, #tpu.memory_space<vmem>> -> memref<1x64x128xf32, #tpu.memory_space<vmem>>
        %scatter3A_765 = tpu.memref_squeeze %scatter3A_764 : memref<1x64x128xf32, #tpu.memory_space<vmem>> -> memref<64x128xf32, #tpu.memory_space<vmem>>
        tpu.vector_store_idx %scatter3A_765[%add3A_761, %broadcast_in_dim3A], %add3A_758 : memref<64x128xf32, #tpu.memory_space<vmem>>[vector<16xi32>, vector<16xi32>], vector<16xf32>,
        %scan3A_766 = arith.constant 1 : i32
        %scan3A_767 = arith.addi %scan3A_710, %scan3A_766 : i32
        %mul3A_768 = arith.constant 1 : i32
        %mul3A_769 = arith.muli %scan3A_767, %mul3A_768 : i32
        %add3A_770 = arith.constant 0 : i32
        %add3A_771 = arith.addi %add3A_770, %mul3A_769 : i32
        %broadcast_in_dim3A_772 = vector.broadcast %add3A_771 : i32 to vector<16xi32>
        %get3A_773 = arith.constant 0 : i32
        %get3A_774 = arith.index_cast %get3A_773 : i32 to index
        %get3A_775 = arith.index_cast %add3A_771 : i32 to index
        %get3A_776 = arith.constant 0 : index
        %get3A_777 = tpu.vector_load %arg9[%get3A_774, %get3A_775, %get3A_776] {strides = array<i32>} : memref<2x128x128xf32, #tpu.memory_space<vmem>>, vector<16xf32>,
        %add3A_778 = arith.addf %get3A_777, %get3A_490 : vector<16xf32>
        %add3A_779 = arith.constant 0 : i32
        %add3A_780 = vector.broadcast %add3A_779 : i32 to vector<16xi32>
        %add3A_781 = arith.addi %iota3A, %add3A_780 : vector<16xi32>
        %scatter3A_782 = arith.constant 0 : i32
        %scatter3A_783 = arith.constant 0 : i32
        %scatter3A_784 = tpu.memref_slice %arg10[%scan3A_500, %scatter3A_782, %scatter3A_783] : memref<2x64x128xf32, #tpu.memory_space<vmem>> -> memref<1x64x128xf32, #tpu.memory_space<vmem>>
        %scatter3A_785 = tpu.memref_squeeze %scatter3A_784 : memref<1x64x128xf32, #tpu.memory_space<vmem>> -> memref<64x128xf32, #tpu.memory_space<vmem>>
        tpu.vector_store_idx %scatter3A_785[%add3A_781, %broadcast_in_dim3A_772], %add3A_778 : memref<64x128xf32, #tpu.memory_space<vmem>>[vector<16xi32>, vector<16xi32>], vector<16xf32>,
        %get3A_786 = arith.constant 0 : i32
        %get3A_787 = arith.index_cast %get3A_786 : i32 to index
        %get3A_788 = arith.index_cast %add3A_771 : i32 to index
        %get3A_789 = arith.constant 16 : index
        %get3A_790 = tpu.vector_load %arg9[%get3A_787, %get3A_788, %get3A_789] {strides = array<i32>} : memref<2x128x128xf32, #tpu.memory_space<vmem>>, vector<16xf32>,
        %add3A_791 = arith.addf %get3A_790, %get3A_493 : vector<16xf32>
        %add3A_792 = arith.constant 16 : i32
        %add3A_793 = vector.broadcast %add3A_792 : i32 to vector<16xi32>
        %add3A_794 = arith.addi %iota3A, %add3A_793 : vector<16xi32>
        %scatter3A_795 = arith.constant 0 : i32
        %scatter3A_796 = arith.constant 0 : i32
        %scatter3A_797 = tpu.memref_slice %arg10[%scan3A_500, %scatter3A_795, %scatter3A_796] : memref<2x64x128xf32, #tpu.memory_space<vmem>> -> memref<1x64x128xf32, #tpu.memory_space<vmem>>
        %scatter3A_798 = tpu.memref_squeeze %scatter3A_797 : memref<1x64x128xf32, #tpu.memory_space<vmem>> -> memref<64x128xf32, #tpu.memory_space<vmem>>
        tpu.vector_store_idx %scatter3A_798[%add3A_794, %broadcast_in_dim3A_772], %add3A_791 : memref<64x128xf32, #tpu.memory_space<vmem>>[vector<16xi32>, vector<16xi32>], vector<16xf32>,
        %get3A_799 = arith.constant 0 : i32
        %get3A_800 = arith.index_cast %get3A_799 : i32 to index
        %get3A_801 = arith.index_cast %add3A_771 : i32 to index
        %get3A_802 = arith.constant 32 : index
        %get3A_803 = tpu.vector_load %arg9[%get3A_800, %get3A_801, %get3A_802] {strides = array<i32>} : memref<2x128x128xf32, #tpu.memory_space<vmem>>, vector<16xf32>,
        %add3A_804 = arith.addf %get3A_803, %get3A_496 : vector<16xf32>
        %add3A_805 = arith.constant 32 : i32
        %add3A_806 = vector.broadcast %add3A_805 : i32 to vector<16xi32>
        %add3A_807 = arith.addi %iota3A, %add3A_806 : vector<16xi32>
        %scatter3A_808 = arith.constant 0 : i32
        %scatter3A_809 = arith.constant 0 : i32
        %scatter3A_810 = tpu.memref_slice %arg10[%scan3A_500, %scatter3A_808, %scatter3A_809] : memref<2x64x128xf32, #tpu.memory_space<vmem>> -> memref<1x64x128xf32, #tpu.memory_space<vmem>>
        %scatter3A_811 = tpu.memref_squeeze %scatter3A_810 : memref<1x64x128xf32, #tpu.memory_space<vmem>> -> memref<64x128xf32, #tpu.memory_space<vmem>>
        tpu.vector_store_idx %scatter3A_811[%add3A_807, %broadcast_in_dim3A_772], %add3A_804 : memref<64x128xf32, #tpu.memory_space<vmem>>[vector<16xi32>, vector<16xi32>], vector<16xf32>,
        %get3A_812 = arith.constant 0 : i32
        %get3A_813 = arith.index_cast %get3A_812 : i32 to index
        %get3A_814 = arith.index_cast %add3A_771 : i32 to index
        %get3A_815 = arith.constant 48 : index
        %get3A_816 = tpu.vector_load %arg9[%get3A_813, %get3A_814, %get3A_815] {strides = array<i32>} : memref<2x128x128xf32, #tpu.memory_space<vmem>>, vector<16xf32>,
        %add3A_817 = arith.addf %get3A_816, %get3A_499 : vector<16xf32>
        %add3A_818 = arith.constant 48 : i32
        %add3A_819 = vector.broadcast %add3A_818 : i32 to vector<16xi32>
        %add3A_820 = arith.addi %iota3A, %add3A_819 : vector<16xi32>
        %scatter3A_821 = arith.constant 0 : i32
        %scatter3A_822 = arith.constant 0 : i32
        %scatter3A_823 = tpu.memref_slice %arg10[%scan3A_500, %scatter3A_821, %scatter3A_822] : memref<2x64x128xf32, #tpu.memory_space<vmem>> -> memref<1x64x128xf32, #tpu.memory_space<vmem>>
        %scatter3A_824 = tpu.memref_squeeze %scatter3A_823 : memref<1x64x128xf32, #tpu.memory_space<vmem>> -> memref<64x128xf32, #tpu.memory_space<vmem>>
        tpu.vector_store_idx %scatter3A_824[%add3A_820, %broadcast_in_dim3A_772], %add3A_817 : memref<64x128xf32, #tpu.memory_space<vmem>>[vector<16xi32>, vector<16xi32>], vector<16xf32>,
        %scan3A_825 = arith.constant 2 : i32
        %scan3A_826 = arith.addi %scan3A_710, %scan3A_825 : i32
        %mul3A_827 = arith.constant 1 : i32
        %mul3A_828 = arith.muli %scan3A_826, %mul3A_827 : i32
        %add3A_829 = arith.constant 0 : i32
        %add3A_830 = arith.addi %add3A_829, %mul3A_828 : i32
        %broadcast_in_dim3A_831 = vector.broadcast %add3A_830 : i32 to vector<16xi32>
        %get3A_832 = arith.constant 0 : i32
        %get3A_833 = arith.index_cast %get3A_832 : i32 to index
        %get3A_834 = arith.index_cast %add3A_830 : i32 to index
        %get3A_835 = arith.constant 0 : index
        %get3A_836 = tpu.vector_load %arg9[%get3A_833, %get3A_834, %get3A_835] {strides = array<i32>} : memref<2x128x128xf32, #tpu.memory_space<vmem>>, vector<16xf32>,
        %add3A_837 = arith.addf %get3A_836, %get3A_490 : vector<16xf32>
        %add3A_838 = arith.constant 0 : i32
        %add3A_839 = vector.broadcast %add3A_838 : i32 to vector<16xi32>
        %add3A_840 = arith.addi %iota3A, %add3A_839 : vector<16xi32>
        %scatter3A_841 = arith.constant 0 : i32
        %scatter3A_842 = arith.constant 0 : i32
        %scatter3A_843 = tpu.memref_slice %arg10[%scan3A_500, %scatter3A_841, %scatter3A_842] : memref<2x64x128xf32, #tpu.memory_space<vmem>> -> memref<1x64x128xf32, #tpu.memory_space<vmem>>
        %scatter3A_844 = tpu.memref_squeeze %scatter3A_843 : memref<1x64x128xf32, #tpu.memory_space<vmem>> -> memref<64x128xf32, #tpu.memory_space<vmem>>
        tpu.vector_store_idx %scatter3A_844[%add3A_840, %broadcast_in_dim3A_831], %add3A_837 : memref<64x128xf32, #tpu.memory_space<vmem>>[vector<16xi32>, vector<16xi32>], vector<16xf32>,
        %get3A_845 = arith.constant 0 : i32
        %get3A_846 = arith.index_cast %get3A_845 : i32 to index
        %get3A_847 = arith.index_cast %add3A_830 : i32 to index
        %get3A_848 = arith.constant 16 : index
        %get3A_849 = tpu.vector_load %arg9[%get3A_846, %get3A_847, %get3A_848] {strides = array<i32>} : memref<2x128x128xf32, #tpu.memory_space<vmem>>, vector<16xf32>,
        %add3A_850 = arith.addf %get3A_849, %get3A_493 : vector<16xf32>
        %add3A_851 = arith.constant 16 : i32
        %add3A_852 = vector.broadcast %add3A_851 : i32 to vector<16xi32>
        %add3A_853 = arith.addi %iota3A, %add3A_852 : vector<16xi32>
        %scatter3A_854 = arith.constant 0 : i32
        %scatter3A_855 = arith.constant 0 : i32
        %scatter3A_856 = tpu.memref_slice %arg10[%scan3A_500, %scatter3A_854, %scatter3A_855] : memref<2x64x128xf32, #tpu.memory_space<vmem>> -> memref<1x64x128xf32, #tpu.memory_space<vmem>>
        %scatter3A_857 = tpu.memref_squeeze %scatter3A_856 : memref<1x64x128xf32, #tpu.memory_space<vmem>> -> memref<64x128xf32, #tpu.memory_space<vmem>>
        tpu.vector_store_idx %scatter3A_857[%add3A_853, %broadcast_in_dim3A_831], %add3A_850 : memref<64x128xf32, #tpu.memory_space<vmem>>[vector<16xi32>, vector<16xi32>], vector<16xf32>,
        %get3A_858 = arith.constant 0 : i32
        %get3A_859 = arith.index_cast %get3A_858 : i32 to index
        %get3A_860 = arith.index_cast %add3A_830 : i32 to index
        %get3A_861 = arith.constant 32 : index
        %get3A_862 = tpu.vector_load %arg9[%get3A_859, %get3A_860, %get3A_861] {strides = array<i32>} : memref<2x128x128xf32, #tpu.memory_space<vmem>>, vector<16xf32>,
        %add3A_863 = arith.addf %get3A_862, %get3A_496 : vector<16xf32>
        %add3A_864 = arith.constant 32 : i32
        %add3A_865 = vector.broadcast %add3A_864 : i32 to vector<16xi32>
        %add3A_866 = arith.addi %iota3A, %add3A_865 : vector<16xi32>
        %scatter3A_867 = arith.constant 0 : i32
        %scatter3A_868 = arith.constant 0 : i32
        %scatter3A_869 = tpu.memref_slice %arg10[%scan3A_500, %scatter3A_867, %scatter3A_868] : memref<2x64x128xf32, #tpu.memory_space<vmem>> -> memref<1x64x128xf32, #tpu.memory_space<vmem>>
        %scatter3A_870 = tpu.memref_squeeze %scatter3A_869 : memref<1x64x128xf32, #tpu.memory_space<vmem>> -> memref<64x128xf32, #tpu.memory_space<vmem>>
        tpu.vector_store_idx %scatter3A_870[%add3A_866, %broadcast_in_dim3A_831], %add3A_863 : memref<64x128xf32, #tpu.memory_space<vmem>>[vector<16xi32>, vector<16xi32>], vector<16xf32>,
        %get3A_871 = arith.constant 0 : i32
        %get3A_872 = arith.index_cast %get3A_871 : i32 to index
        %get3A_873 = arith.index_cast %add3A_830 : i32 to index
        %get3A_874 = arith.constant 48 : index
        %get3A_875 = tpu.vector_load %arg9[%get3A_872, %get3A_873, %get3A_874] {strides = array<i32>} : memref<2x128x128xf32, #tpu.memory_space<vmem>>, vector<16xf32>,
        %add3A_876 = arith.addf %get3A_875, %get3A_499 : vector<16xf32>
        %add3A_877 = arith.constant 48 : i32
        %add3A_878 = vector.broadcast %add3A_877 : i32 to vector<16xi32>
        %add3A_879 = arith.addi %iota3A, %add3A_878 : vector<16xi32>
        %scatter3A_880 = arith.constant 0 : i32
        %scatter3A_881 = arith.constant 0 : i32
        %scatter3A_882 = tpu.memref_slice %arg10[%scan3A_500, %scatter3A_880, %scatter3A_881] : memref<2x64x128xf32, #tpu.memory_space<vmem>> -> memref<1x64x128xf32, #tpu.memory_space<vmem>>
        %scatter3A_883 = tpu.memref_squeeze %scatter3A_882 : memref<1x64x128xf32, #tpu.memory_space<vmem>> -> memref<64x128xf32, #tpu.memory_space<vmem>>
        tpu.vector_store_idx %scatter3A_883[%add3A_879, %broadcast_in_dim3A_831], %add3A_876 : memref<64x128xf32, #tpu.memory_space<vmem>>[vector<16xi32>, vector<16xi32>], vector<16xf32>,
        %scan3A_884 = arith.constant 3 : i32
        %scan3A_885 = arith.addi %scan3A_710, %scan3A_884 : i32
        %mul3A_886 = arith.constant 1 : i32
        %mul3A_887 = arith.muli %scan3A_885, %mul3A_886 : i32
        %add3A_888 = arith.constant 0 : i32
        %add3A_889 = arith.addi %add3A_888, %mul3A_887 : i32
        %broadcast_in_dim3A_890 = vector.broadcast %add3A_889 : i32 to vector<16xi32>
        %get3A_891 = arith.constant 0 : i32
        %get3A_892 = arith.index_cast %get3A_891 : i32 to index
        %get3A_893 = arith.index_cast %add3A_889 : i32 to index
        %get3A_894 = arith.constant 0 : index
        %get3A_895 = tpu.vector_load %arg9[%get3A_892, %get3A_893, %get3A_894] {strides = array<i32>} : memref<2x128x128xf32, #tpu.memory_space<vmem>>, vector<16xf32>,
        %add3A_896 = arith.addf %get3A_895, %get3A_490 : vector<16xf32>
        %add3A_897 = arith.constant 0 : i32
        %add3A_898 = vector.broadcast %add3A_897 : i32 to vector<16xi32>
        %add3A_899 = arith.addi %iota3A, %add3A_898 : vector<16xi32>
        %scatter3A_900 = arith.constant 0 : i32
        %scatter3A_901 = arith.constant 0 : i32
        %scatter3A_902 = tpu.memref_slice %arg10[%scan3A_500, %scatter3A_900, %scatter3A_901] : memref<2x64x128xf32, #tpu.memory_space<vmem>> -> memref<1x64x128xf32, #tpu.memory_space<vmem>>
        %scatter3A_903 = tpu.memref_squeeze %scatter3A_902 : memref<1x64x128xf32, #tpu.memory_space<vmem>> -> memref<64x128xf32, #tpu.memory_space<vmem>>
        tpu.vector_store_idx %scatter3A_903[%add3A_899, %broadcast_in_dim3A_890], %add3A_896 : memref<64x128xf32, #tpu.memory_space<vmem>>[vector<16xi32>, vector<16xi32>], vector<16xf32>,
        %get3A_904 = arith.constant 0 : i32
        %get3A_905 = arith.index_cast %get3A_904 : i32 to index
        %get3A_906 = arith.index_cast %add3A_889 : i32 to index
        %get3A_907 = arith.constant 16 : index
        %get3A_908 = tpu.vector_load %arg9[%get3A_905, %get3A_906, %get3A_907] {strides = array<i32>} : memref<2x128x128xf32, #tpu.memory_space<vmem>>, vector<16xf32>,
        %add3A_909 = arith.addf %get3A_908, %get3A_493 : vector<16xf32>
        %add3A_910 = arith.constant 16 : i32
        %add3A_911 = vector.broadcast %add3A_910 : i32 to vector<16xi32>
        %add3A_912 = arith.addi %iota3A, %add3A_911 : vector<16xi32>
        %scatter3A_913 = arith.constant 0 : i32
        %scatter3A_914 = arith.constant 0 : i32
        %scatter3A_915 = tpu.memref_slice %arg10[%scan3A_500, %scatter3A_913, %scatter3A_914] : memref<2x64x128xf32, #tpu.memory_space<vmem>> -> memref<1x64x128xf32, #tpu.memory_space<vmem>>
        %scatter3A_916 = tpu.memref_squeeze %scatter3A_915 : memref<1x64x128xf32, #tpu.memory_space<vmem>> -> memref<64x128xf32, #tpu.memory_space<vmem>>
        tpu.vector_store_idx %scatter3A_916[%add3A_912, %broadcast_in_dim3A_890], %add3A_909 : memref<64x128xf32, #tpu.memory_space<vmem>>[vector<16xi32>, vector<16xi32>], vector<16xf32>,
        %get3A_917 = arith.constant 0 : i32
        %get3A_918 = arith.index_cast %get3A_917 : i32 to index
        %get3A_919 = arith.index_cast %add3A_889 : i32 to index
        %get3A_920 = arith.constant 32 : index
        %get3A_921 = tpu.vector_load %arg9[%get3A_918, %get3A_919, %get3A_920] {strides = array<i32>} : memref<2x128x128xf32, #tpu.memory_space<vmem>>, vector<16xf32>,
        %add3A_922 = arith.addf %get3A_921, %get3A_496 : vector<16xf32>
        %add3A_923 = arith.constant 32 : i32
        %add3A_924 = vector.broadcast %add3A_923 : i32 to vector<16xi32>
        %add3A_925 = arith.addi %iota3A, %add3A_924 : vector<16xi32>
        %scatter3A_926 = arith.constant 0 : i32
        %scatter3A_927 = arith.constant 0 : i32
        %scatter3A_928 = tpu.memref_slice %arg10[%scan3A_500, %scatter3A_926, %scatter3A_927] : memref<2x64x128xf32, #tpu.memory_space<vmem>> -> memref<1x64x128xf32, #tpu.memory_space<vmem>>
        %scatter3A_929 = tpu.memref_squeeze %scatter3A_928 : memref<1x64x128xf32, #tpu.memory_space<vmem>> -> memref<64x128xf32, #tpu.memory_space<vmem>>
        tpu.vector_store_idx %scatter3A_929[%add3A_925, %broadcast_in_dim3A_890], %add3A_922 : memref<64x128xf32, #tpu.memory_space<vmem>>[vector<16xi32>, vector<16xi32>], vector<16xf32>,
        %get3A_930 = arith.constant 0 : i32
        %get3A_931 = arith.index_cast %get3A_930 : i32 to index
        %get3A_932 = arith.index_cast %add3A_889 : i32 to index
        %get3A_933 = arith.constant 48 : index
        %get3A_934 = tpu.vector_load %arg9[%get3A_931, %get3A_932, %get3A_933] {strides = array<i32>} : memref<2x128x128xf32, #tpu.memory_space<vmem>>, vector<16xf32>,
        %add3A_935 = arith.addf %get3A_934, %get3A_499 : vector<16xf32>
        %add3A_936 = arith.constant 48 : i32
        %add3A_937 = vector.broadcast %add3A_936 : i32 to vector<16xi32>
        %add3A_938 = arith.addi %iota3A, %add3A_937 : vector<16xi32>
        %scatter3A_939 = arith.constant 0 : i32
        %scatter3A_940 = arith.constant 0 : i32
        %scatter3A_941 = tpu.memref_slice %arg10[%scan3A_500, %scatter3A_939, %scatter3A_940] : memref<2x64x128xf32, #tpu.memory_space<vmem>> -> memref<1x64x128xf32, #tpu.memory_space<vmem>>
        %scatter3A_942 = tpu.memref_squeeze %scatter3A_941 : memref<1x64x128xf32, #tpu.memory_space<vmem>> -> memref<64x128xf32, #tpu.memory_space<vmem>>
        tpu.vector_store_idx %scatter3A_942[%add3A_938, %broadcast_in_dim3A_890], %add3A_935 : memref<64x128xf32, #tpu.memory_space<vmem>>[vector<16xi32>, vector<16xi32>], vector<16xf32>,
      }
      %scan3A_505 = arith.constant 128 : i32
      %jit3A_506 = arith.constant 8 : i32
      %div3A_507 = arith.divsi %add3A_431, %jit3A_506 : i32
      %sign3A_508 = arith.constant 0 : i32
      %sign3A_509 = arith.cmpi sgt, %add3A_431, %sign3A_508 : i32
      %sign3A_510 = arith.extui %sign3A_509 : i1 to i32
      %sign3A_511 = arith.constant 0 : i32
      %sign3A_512 = arith.cmpi slt, %add3A_431, %sign3A_511 : i32
      %sign3A_513 = arith.extui %sign3A_512 : i1 to i32
      %sign3A_514 = arith.subi %sign3A_510, %sign3A_513 : i32
      %sign3A_515 = arith.constant 0 : i32
      %sign3A_516 = arith.cmpi sgt, %jit3A_506, %sign3A_515 : i32
      %sign3A_517 = arith.extui %sign3A_516 : i1 to i32
      %sign3A_518 = arith.constant 0 : i32
      %sign3A_519 = arith.cmpi slt, %jit3A_506, %sign3A_518 : i32
      %sign3A_520 = arith.extui %sign3A_519 : i1 to i32
      %sign3A_521 = arith.subi %sign3A_517, %sign3A_520 : i32
      %ne3A_522 = arith.cmpi ne, %sign3A_514, %sign3A_521 : i32
      %rem3A_523 = arith.remsi %add3A_431, %jit3A_506 : i32
      %ne3A_524 = arith.constant 0 : i32
      %ne3A_525 = arith.cmpi ne, %rem3A_523, %ne3A_524 : i32
      %and3A_526 = arith.andi %ne3A_522, %ne3A_525 : i1
      %sub3A_527 = arith.constant 1 : i32
      %sub3A_528 = arith.subi %div3A_507, %sub3A_527 : i32
      %select_n3A_529 = arith.select %and3A_526, %sub3A_528, %div3A_507 : i32
      %jit3A_530 = arith.constant 8 : i32
      %eq3A_531 = arith.constant 0 : i32
      %eq3A_532 = arith.cmpi eq, %jit3A_530, %eq3A_531 : i32
      %jit3A_533 = arith.constant 1 : i32
      %select_n3A_534 = arith.select %eq3A_532, %jit3A_533, %jit3A_530 : i32
      %rem3A_535 = arith.remsi %add3A_431, %select_n3A_534 : i32
      %ne3A_536 = arith.constant 0 : i32
      %ne3A_537 = arith.cmpi ne, %rem3A_535, %ne3A_536 : i32
      %lt3A_538 = arith.constant 0 : i32
      %lt3A_539 = arith.cmpi slt, %rem3A_535, %lt3A_538 : i32
      %lt3A_540 = arith.constant 0 : i32
      %lt3A_541 = arith.cmpi slt, %select_n3A_534, %lt3A_540 : i32
      %ne3A_542 = arith.xori %lt3A_539, %lt3A_541 : i1
      %and3A_543 = arith.andi %ne3A_542, %ne3A_537 : i1
      %add3A_544 = arith.addi %rem3A_535, %select_n3A_534 : i32
      %select_n3A_545 = arith.select %and3A_543, %add3A_544, %rem3A_535 : i32
      %mul3A_546 = arith.constant 128 : i32
      %mul3A_547 = arith.muli %select_n3A_545, %mul3A_546 : i32
      %dma_start3A_548 = arith.constant 0 : i32
      %dma_start3A_549 = arith.constant 0 : i32
      %dma_start3A_550 = arith.constant 0 : i32
      %dma_start3A_551 = tpu.memref_slice %arg10[%dma_start3A_548, %dma_start3A_549, %dma_start3A_550] : memref<2x64x128xf32, #tpu.memory_space<vmem>> -> memref<1x64x128xf32, #tpu.memory_space<vmem>>
      %dma_start3A_552 = tpu.memref_squeeze %dma_start3A_551 : memref<1x64x128xf32, #tpu.memory_space<vmem>> -> memref<64x128xf32, #tpu.memory_space<vmem>>
      %dma_start3A_553 = arith.constant 0 : i32
      %dma_start3A_554 = tpu.memref_slice %arg5[%select_n3A_529, %dma_start3A_553, %mul3A_547] : memref<200x64x1024xf32, #tpu.memory_space<hbm>> -> memref<1x64x128xf32, #tpu.memory_space<hbm>>
      %dma_start3A_555 = tpu.memref_squeeze %dma_start3A_554 : memref<1x64x128xf32, #tpu.memory_space<hbm>> -> memref<64x128xf32, #tpu.memory_space<hbm>>
      %dma_start3A_556 = arith.constant 0 : i32
      %dma_start3A_557 = tpu.memref_slice %arg5[%select_n3A_529, %dma_start3A_556, %mul3A_547] : memref<200x64x1024xf32, #tpu.memory_space<hbm>> -> memref<1x64x128xf32, #tpu.memory_space<hbm>>
      %dma_start3A_558 = tpu.memref_squeeze %dma_start3A_557 : memref<1x64x128xf32, #tpu.memory_space<hbm>> -> memref<64x128xf32, #tpu.memory_space<hbm>>
      %dma_start3A_559 = arith.constant 0 : i32
      %dma_start3A_560 = arith.constant 0 : i32
      %dma_start3A_561 = tpu.memref_slice %arg10[%dma_start3A_548, %dma_start3A_559, %dma_start3A_560] : memref<2x64x128xf32, #tpu.memory_space<vmem>> -> memref<1x64x128xf32, #tpu.memory_space<vmem>>
      %dma_start3A_562 = tpu.memref_squeeze %dma_start3A_561 : memref<1x64x128xf32, #tpu.memory_space<vmem>> -> memref<64x128xf32, #tpu.memory_space<vmem>>
      tpu.enqueue_dma source(%dma_start3A_562 : memref<64x128xf32, #tpu.memory_space<vmem>>) target(%dma_start3A_558 : memref<64x128xf32, #tpu.memory_space<hbm>>) target_semaphore(%arg13 : memref<!tpu.dma_semaphore, #tpu.memory_space<semaphore_mem>>)
      %lt3A_563 = arith.constant 48 : i32
      %lt3A_564 = arith.cmpi slt, %add3A_430, %lt3A_563 : i32
      %convert_element_type3A_565 = arith.extui %lt3A_564 : i1 to i32
      %cond3A_566 = arith.constant 0 : i32
      %cond3A_567 = arith.cmpi ne, %convert_element_type3A_565, %cond3A_566 : i32
      scf.if %cond3A_567 {
        %add3A_710 = arith.constant 2 : i32
        %add3A_711 = arith.addi %add3A_431, %add3A_710 : i32
        %jit3A_712 = arith.constant 8 : i32
        %div3A_713 = arith.divsi %add3A_711, %jit3A_712 : i32
        %sign3A_714 = arith.constant 0 : i32
        %sign3A_715 = arith.cmpi sgt, %add3A_711, %sign3A_714 : i32
        %sign3A_716 = arith.extui %sign3A_715 : i1 to i32
        %sign3A_717 = arith.constant 0 : i32
        %sign3A_718 = arith.cmpi slt, %add3A_711, %sign3A_717 : i32
        %sign3A_719 = arith.extui %sign3A_718 : i1 to i32
        %sign3A_720 = arith.subi %sign3A_716, %sign3A_719 : i32
        %sign3A_721 = arith.constant 0 : i32
        %sign3A_722 = arith.cmpi sgt, %jit3A_712, %sign3A_721 : i32
        %sign3A_723 = arith.extui %sign3A_722 : i1 to i32
        %sign3A_724 = arith.constant 0 : i32
        %sign3A_725 = arith.cmpi slt, %jit3A_712, %sign3A_724 : i32
        %sign3A_726 = arith.extui %sign3A_725 : i1 to i32
        %sign3A_727 = arith.subi %sign3A_723, %sign3A_726 : i32
        %ne3A_728 = arith.cmpi ne, %sign3A_720, %sign3A_727 : i32
        %rem3A_729 = arith.remsi %add3A_711, %jit3A_712 : i32
        %ne3A_730 = arith.constant 0 : i32
        %ne3A_731 = arith.cmpi ne, %rem3A_729, %ne3A_730 : i32
        %and3A_732 = arith.andi %ne3A_728, %ne3A_731 : i1
        %sub3A_733 = arith.constant 1 : i32
        %sub3A_734 = arith.subi %div3A_713, %sub3A_733 : i32
        %select_n3A_735 = arith.select %and3A_732, %sub3A_734, %div3A_713 : i32
        %jit3A_736 = arith.constant 8 : i32
        %eq3A_737 = arith.constant 0 : i32
        %eq3A_738 = arith.cmpi eq, %jit3A_736, %eq3A_737 : i32
        %jit3A_739 = arith.constant 1 : i32
        %select_n3A_740 = arith.select %eq3A_738, %jit3A_739, %jit3A_736 : i32
        %rem3A_741 = arith.remsi %add3A_711, %select_n3A_740 : i32
        %ne3A_742 = arith.constant 0 : i32
        %ne3A_743 = arith.cmpi ne, %rem3A_741, %ne3A_742 : i32
        %lt3A_744 = arith.constant 0 : i32
        %lt3A_745 = arith.cmpi slt, %rem3A_741, %lt3A_744 : i32
        %lt3A_746 = arith.constant 0 : i32
        %lt3A_747 = arith.cmpi slt, %select_n3A_740, %lt3A_746 : i32
        %ne3A_748 = arith.xori %lt3A_745, %lt3A_747 : i1
        %and3A_749 = arith.andi %ne3A_748, %ne3A_743 : i1
        %add3A_750 = arith.addi %rem3A_741, %select_n3A_740 : i32
        %select_n3A_751 = arith.select %and3A_749, %add3A_750, %rem3A_741 : i32
        %mul3A_752 = arith.constant 128 : i32
        %mul3A_753 = arith.muli %select_n3A_751, %mul3A_752 : i32
        %sub3A_754 = arith.subi %select_n3A_735, %min3A_45 : i32
        %add3A_755 = arith.constant 0 : i32
        %add3A_756 = arith.addi %mul3A_753, %add3A_755 : i32
        %get3A_757 = arith.index_cast %sub3A_754 : i32 to index
        %get3A_758 = arith.index_cast %add3A_756 : i32 to index
        %get3A_759 = tpu.vector_load %arg6[%get3A_757, %get3A_758] {strides = array<i32>} : memref<16x1024xi32, #tpu.memory_space<vmem>>, vector<16xi32>,
        %swap3A_760 = arith.constant 0 : i32
        %swap3A_761 = arith.index_cast %swap3A_760 : i32 to index
        %swap3A_762 = arith.constant 0 : index
        %swap3A_763 = tpu.vector_load %arg8[%swap3A_761, %swap3A_762] {strides = array<i32>} : memref<2x128xi32, #tpu.memory_space<vmem>>, vector<16xi32>,
        tpu.vector_store %arg8[%swap3A_761, %swap3A_762], %get3A_759 {strides = array<i32>} : memref<2x128xi32, #tpu.memory_space<vmem>>, vector<16xi32>,
        %add3A_764 = arith.constant 16 : i32
        %add3A_765 = arith.addi %mul3A_753, %add3A_764 : i32
        %get3A_766 = arith.index_cast %sub3A_754 : i32 to index
        %get3A_767 = arith.index_cast %add3A_765 : i32 to index
        %get3A_768 = tpu.vector_load %arg6[%get3A_766, %get3A_767] {strides = array<i32>} : memref<16x1024xi32, #tpu.memory_space<vmem>>, vector<16xi32>,
        %swap3A_769 = arith.constant 0 : i32
        %swap3A_770 = arith.index_cast %swap3A_769 : i32 to index
        %swap3A_771 = arith.constant 16 : index
        %swap3A_772 = tpu.vector_load %arg8[%swap3A_770, %swap3A_771] {strides = array<i32>} : memref<2x128xi32, #tpu.memory_space<vmem>>, vector<16xi32>,
        tpu.vector_store %arg8[%swap3A_770, %swap3A_771], %get3A_768 {strides = array<i32>} : memref<2x128xi32, #tpu.memory_space<vmem>>, vector<16xi32>,
        %add3A_773 = arith.constant 32 : i32
        %add3A_774 = arith.addi %mul3A_753, %add3A_773 : i32
        %get3A_775 = arith.index_cast %sub3A_754 : i32 to index
        %get3A_776 = arith.index_cast %add3A_774 : i32 to index
        %get3A_777 = tpu.vector_load %arg6[%get3A_775, %get3A_776] {strides = array<i32>} : memref<16x1024xi32, #tpu.memory_space<vmem>>, vector<16xi32>,
        %swap3A_778 = arith.constant 0 : i32
        %swap3A_779 = arith.index_cast %swap3A_778 : i32 to index
        %swap3A_780 = arith.constant 32 : index
        %swap3A_781 = tpu.vector_load %arg8[%swap3A_779, %swap3A_780] {strides = array<i32>} : memref<2x128xi32, #tpu.memory_space<vmem>>, vector<16xi32>,
        tpu.vector_store %arg8[%swap3A_779, %swap3A_780], %get3A_777 {strides = array<i32>} : memref<2x128xi32, #tpu.memory_space<vmem>>, vector<16xi32>,
        %add3A_782 = arith.constant 48 : i32
        %add3A_783 = arith.addi %mul3A_753, %add3A_782 : i32
        %get3A_784 = arith.index_cast %sub3A_754 : i32 to index
        %get3A_785 = arith.index_cast %add3A_783 : i32 to index
        %get3A_786 = tpu.vector_load %arg6[%get3A_784, %get3A_785] {strides = array<i32>} : memref<16x1024xi32, #tpu.memory_space<vmem>>, vector<16xi32>,
        %swap3A_787 = arith.constant 0 : i32
        %swap3A_788 = arith.index_cast %swap3A_787 : i32 to index
        %swap3A_789 = arith.constant 48 : index
        %swap3A_790 = tpu.vector_load %arg8[%swap3A_788, %swap3A_789] {strides = array<i32>} : memref<2x128xi32, #tpu.memory_space<vmem>>, vector<16xi32>,
        tpu.vector_store %arg8[%swap3A_788, %swap3A_789], %get3A_786 {strides = array<i32>} : memref<2x128xi32, #tpu.memory_space<vmem>>, vector<16xi32>,
        %add3A_791 = arith.constant 64 : i32
        %add3A_792 = arith.addi %mul3A_753, %add3A_791 : i32
        %get3A_793 = arith.index_cast %sub3A_754 : i32 to index
        %get3A_794 = arith.index_cast %add3A_792 : i32 to index
        %get3A_795 = tpu.vector_load %arg6[%get3A_793, %get3A_794] {strides = array<i32>} : memref<16x1024xi32, #tpu.memory_space<vmem>>, vector<16xi32>,
        %swap3A_796 = arith.constant 0 : i32
        %swap3A_797 = arith.index_cast %swap3A_796 : i32 to index
        %swap3A_798 = arith.constant 64 : index
        %swap3A_799 = tpu.vector_load %arg8[%swap3A_797, %swap3A_798] {strides = array<i32>} : memref<2x128xi32, #tpu.memory_space<vmem>>, vector<16xi32>,
        tpu.vector_store %arg8[%swap3A_797, %swap3A_798], %get3A_795 {strides = array<i32>} : memref<2x128xi32, #tpu.memory_space<vmem>>, vector<16xi32>,
        %add3A_800 = arith.constant 80 : i32
        %add3A_801 = arith.addi %mul3A_753, %add3A_800 : i32
        %get3A_802 = arith.index_cast %sub3A_754 : i32 to index
        %get3A_803 = arith.index_cast %add3A_801 : i32 to index
        %get3A_804 = tpu.vector_load %arg6[%get3A_802, %get3A_803] {strides = array<i32>} : memref<16x1024xi32, #tpu.memory_space<vmem>>, vector<16xi32>,
        %swap3A_805 = arith.constant 0 : i32
        %swap3A_806 = arith.index_cast %swap3A_805 : i32 to index
        %swap3A_807 = arith.constant 80 : index
        %swap3A_808 = tpu.vector_load %arg8[%swap3A_806, %swap3A_807] {strides = array<i32>} : memref<2x128xi32, #tpu.memory_space<vmem>>, vector<16xi32>,
        tpu.vector_store %arg8[%swap3A_806, %swap3A_807], %get3A_804 {strides = array<i32>} : memref<2x128xi32, #tpu.memory_space<vmem>>, vector<16xi32>,
        %add3A_809 = arith.constant 96 : i32
        %add3A_810 = arith.addi %mul3A_753, %add3A_809 : i32
        %get3A_811 = arith.index_cast %sub3A_754 : i32 to index
        %get3A_812 = arith.index_cast %add3A_810 : i32 to index
        %get3A_813 = tpu.vector_load %arg6[%get3A_811, %get3A_812] {strides = array<i32>} : memref<16x1024xi32, #tpu.memory_space<vmem>>, vector<16xi32>,
        %swap3A_814 = arith.constant 0 : i32
        %swap3A_815 = arith.index_cast %swap3A_814 : i32 to index
        %swap3A_816 = arith.constant 96 : index
        %swap3A_817 = tpu.vector_load %arg8[%swap3A_815, %swap3A_816] {strides = array<i32>} : memref<2x128xi32, #tpu.memory_space<vmem>>, vector<16xi32>,
        tpu.vector_store %arg8[%swap3A_815, %swap3A_816], %get3A_813 {strides = array<i32>} : memref<2x128xi32, #tpu.memory_space<vmem>>, vector<16xi32>,
        %add3A_818 = arith.constant 112 : i32
        %add3A_819 = arith.addi %mul3A_753, %add3A_818 : i32
        %get3A_820 = arith.index_cast %sub3A_754 : i32 to index
        %get3A_821 = arith.index_cast %add3A_819 : i32 to index
        %get3A_822 = tpu.vector_load %arg6[%get3A_820, %get3A_821] {strides = array<i32>} : memref<16x1024xi32, #tpu.memory_space<vmem>>, vector<16xi32>,
        %swap3A_823 = arith.constant 0 : i32
        %swap3A_824 = arith.index_cast %swap3A_823 : i32 to index
        %swap3A_825 = arith.constant 112 : index
        %swap3A_826 = tpu.vector_load %arg8[%swap3A_824, %swap3A_825] {strides = array<i32>} : memref<2x128xi32, #tpu.memory_space<vmem>>, vector<16xi32>,
        tpu.vector_store %arg8[%swap3A_824, %swap3A_825], %get3A_822 {strides = array<i32>} : memref<2x128xi32, #tpu.memory_space<vmem>>, vector<16xi32>,
        %add3A_827 = arith.constant 2 : i32
        %add3A_828 = arith.addi %add3A_431, %add3A_827 : i32
        %dma_start3A_829 = arith.constant 0 : i32
        %dma_start3A_830 = arith.constant 0 : i32
        %dma_start3A_831 = arith.constant 0 : i32
        %dma_start3A_832 = arith.constant 0 : i32
        %dma_start3A_833 = tpu.memref_slice %arg9[%dma_start3A_830, %dma_start3A_831, %dma_start3A_832] : memref<2x128x128xf32, #tpu.memory_space<vmem>> -> memref<1x128x128xf32, #tpu.memory_space<vmem>>
        %dma_start3A_834 = tpu.memref_squeeze %dma_start3A_833 : memref<1x128x128xf32, #tpu.memory_space<vmem>> -> memref<128x128xf32, #tpu.memory_space<vmem>>
        %dma_start3A_835 = arith.constant 0 : i32
        %dma_start3A_836 = tpu.memref_slice %arg8[%dma_start3A_829, %dma_start3A_835] : memref<2x128xi32, #tpu.memory_space<vmem>> -> memref<1x128xi32, #tpu.memory_space<vmem>>
        %dma_start3A_837 = tpu.memref_squeeze %dma_start3A_836 : memref<1x128xi32, #tpu.memory_space<vmem>> -> memref<128xi32, #tpu.memory_space<vmem>>
        %dma_start3A_838 = arith.constant 0 : i32
        %dma_start3A_839 = arith.constant 0 : i32
        %dma_start3A_840 = tpu.memref_slice %arg2[%dma_start3A_838, %dma_start3A_839] : memref<1000000x128xf32, #tpu.memory_space<hbm>> -> memref<1000000x128xf32, #tpu.memory_space<hbm>>
        tpu.enqueue_indirect_dma source(%dma_start3A_840 : memref<1000000x128xf32, #tpu.memory_space<hbm>>) target(%dma_start3A_834 : memref<128x128xf32, #tpu.memory_space<vmem>>) offsets(%dma_start3A_837 : memref<128xi32, #tpu.memory_space<vmem>>) semaphore(%arg11 : memref<!tpu.dma_semaphore, #tpu.memory_space<semaphore_mem>>)
      } else {
      }
      %add3A_568 = arith.constant 1 : i32
      %add3A_569 = arith.addi %add3A_428, %add3A_568 : i32
      %add3A_570 = arith.addi %mul3A_2, %add3A_569 : i32
      %jit3A_571 = arith.constant 8 : i32
      %div3A_572 = arith.divsi %add3A_570, %jit3A_571 : i32
      %sign3A_573 = arith.constant 0 : i32
      %sign3A_574 = arith.cmpi sgt, %add3A_570, %sign3A_573 : i32
      %sign3A_575 = arith.extui %sign3A_574 : i1 to i32
      %sign3A_576 = arith.constant 0 : i32
      %sign3A_577 = arith.cmpi slt, %add3A_570, %sign3A_576 : i32
      %sign3A_578 = arith.extui %sign3A_577 : i1 to i32
      %sign3A_579 = arith.subi %sign3A_575, %sign3A_578 : i32
      %sign3A_580 = arith.constant 0 : i32
      %sign3A_581 = arith.cmpi sgt, %jit3A_571, %sign3A_580 : i32
      %sign3A_582 = arith.extui %sign3A_581 : i1 to i32
      %sign3A_583 = arith.constant 0 : i32
      %sign3A_584 = arith.cmpi slt, %jit3A_571, %sign3A_583 : i32
      %sign3A_585 = arith.extui %sign3A_584 : i1 to i32
      %sign3A_586 = arith.subi %sign3A_582, %sign3A_585 : i32
      %ne3A_587 = arith.cmpi ne, %sign3A_579, %sign3A_586 : i32
      %rem3A_588 = arith.remsi %add3A_570, %jit3A_571 : i32
      %ne3A_589 = arith.constant 0 : i32
      %ne3A_590 = arith.cmpi ne, %rem3A_588, %ne3A_589 : i32
      %and3A_591 = arith.andi %ne3A_587, %ne3A_590 : i1
      %sub3A_592 = arith.constant 1 : i32
      %sub3A_593 = arith.subi %div3A_572, %sub3A_592 : i32
      %select_n3A_594 = arith.select %and3A_591, %sub3A_593, %div3A_572 : i32
      %jit3A_595 = arith.constant 8 : i32
      %eq3A_596 = arith.constant 0 : i32
      %eq3A_597 = arith.cmpi eq, %jit3A_595, %eq3A_596 : i32
      %jit3A_598 = arith.constant 1 : i32
      %select_n3A_599 = arith.select %eq3A_597, %jit3A_598, %jit3A_595 : i32
      %rem3A_600 = arith.remsi %add3A_570, %select_n3A_599 : i32
      %ne3A_601 = arith.constant 0 : i32
      %ne3A_602 = arith.cmpi ne, %rem3A_600, %ne3A_601 : i32
      %lt3A_603 = arith.constant 0 : i32
      %lt3A_604 = arith.cmpi slt, %rem3A_600, %lt3A_603 : i32
      %lt3A_605 = arith.constant 0 : i32
      %lt3A_606 = arith.cmpi slt, %select_n3A_599, %lt3A_605 : i32
      %ne3A_607 = arith.xori %lt3A_604, %lt3A_606 : i1
      %and3A_608 = arith.andi %ne3A_607, %ne3A_602 : i1
      %add3A_609 = arith.addi %rem3A_600, %select_n3A_599 : i32
      %select_n3A_610 = arith.select %and3A_608, %add3A_609, %rem3A_600 : i32
      %mul3A_611 = arith.constant 128 : i32
      %mul3A_612 = arith.muli %select_n3A_610, %mul3A_611 : i32
      %dma_wait3A_613 = arith.constant 1 : i32
      %dma_wait3A_614 = arith.constant 1 : i32
      %dma_wait3A_615 = arith.constant 0 : i32
      %dma_wait3A_616 = arith.constant 0 : i32
      %dma_wait3A_617 = tpu.memref_slice %arg9[%dma_wait3A_614, %dma_wait3A_615, %dma_wait3A_616] : memref<2x128x128xf32, #tpu.memory_space<vmem>> -> memref<1x128x128xf32, #tpu.memory_space<vmem>>
      %dma_wait3A_618 = tpu.memref_squeeze %dma_wait3A_617 : memref<1x128x128xf32, #tpu.memory_space<vmem>> -> memref<128x128xf32, #tpu.memory_space<vmem>>
      %dma_wait3A_619 = arith.constant 0 : i32
      %dma_wait3A_620 = tpu.memref_slice %arg8[%dma_wait3A_613, %dma_wait3A_619] : memref<2x128xi32, #tpu.memory_space<vmem>> -> memref<1x128xi32, #tpu.memory_space<vmem>>
      %dma_wait3A_621 = tpu.memref_squeeze %dma_wait3A_620 : memref<1x128xi32, #tpu.memory_space<vmem>> -> memref<128xi32, #tpu.memory_space<vmem>>
      %dma_wait3A_622 = arith.constant 0 : i32
      %dma_wait3A_623 = arith.constant 0 : i32
      %dma_wait3A_624 = tpu.memref_slice %arg2[%dma_wait3A_622, %dma_wait3A_623] : memref<1000000x128xf32, #tpu.memory_space<hbm>> -> memref<1000000x128xf32, #tpu.memory_space<hbm>>
      tpu.wait_indirect_dma semaphore(%arg12 : memref<!tpu.dma_semaphore, #tpu.memory_space<semaphore_mem>>) src(%dma_wait3A_624 : memref<1000000x128xf32, #tpu.memory_space<hbm>>) dst(%dma_wait3A_618 : memref<128x128xf32, #tpu.memory_space<vmem>>)
      %ge3A_625 = arith.constant 2 : i32
      %ge3A_626 = arith.cmpi sge, %add3A_569, %ge3A_625 : i32
      %convert_element_type3A_627 = arith.extui %ge3A_626 : i1 to i32
      %cond3A_628 = arith.constant 0 : i32
      %cond3A_629 = arith.cmpi ne, %convert_element_type3A_627, %cond3A_628 : i32
      scf.if %cond3A_629 {
        %sub3A_710 = arith.constant 2 : i32
        %sub3A_711 = arith.subi %add3A_570, %sub3A_710 : i32
        %jit3A_712 = arith.constant 8 : i32
        %div3A_713 = arith.divsi %sub3A_711, %jit3A_712 : i32
        %sign3A_714 = arith.constant 0 : i32
        %sign3A_715 = arith.cmpi sgt, %sub3A_711, %sign3A_714 : i32
        %sign3A_716 = arith.extui %sign3A_715 : i1 to i32
        %sign3A_717 = arith.constant 0 : i32
        %sign3A_718 = arith.cmpi slt, %sub3A_711, %sign3A_717 : i32
        %sign3A_719 = arith.extui %sign3A_718 : i1 to i32
        %sign3A_720 = arith.subi %sign3A_716, %sign3A_719 : i32
        %sign3A_721 = arith.constant 0 : i32
        %sign3A_722 = arith.cmpi sgt, %jit3A_712, %sign3A_721 : i32
        %sign3A_723 = arith.extui %sign3A_722 : i1 to i32
        %sign3A_724 = arith.constant 0 : i32
        %sign3A_725 = arith.cmpi slt, %jit3A_712, %sign3A_724 : i32
        %sign3A_726 = arith.extui %sign3A_725 : i1 to i32
        %sign3A_727 = arith.subi %sign3A_723, %sign3A_726 : i32
        %ne3A_728 = arith.cmpi ne, %sign3A_720, %sign3A_727 : i32
        %rem3A_729 = arith.remsi %sub3A_711, %jit3A_712 : i32
        %ne3A_730 = arith.constant 0 : i32
        %ne3A_731 = arith.cmpi ne, %rem3A_729, %ne3A_730 : i32
        %and3A_732 = arith.andi %ne3A_728, %ne3A_731 : i1
        %sub3A_733 = arith.constant 1 : i32
        %sub3A_734 = arith.subi %div3A_713, %sub3A_733 : i32
        %select_n3A_735 = arith.select %and3A_732, %sub3A_734, %div3A_713 : i32
        %jit3A_736 = arith.constant 8 : i32
        %eq3A_737 = arith.constant 0 : i32
        %eq3A_738 = arith.cmpi eq, %jit3A_736, %eq3A_737 : i32
        %jit3A_739 = arith.constant 1 : i32
        %select_n3A_740 = arith.select %eq3A_738, %jit3A_739, %jit3A_736 : i32
        %rem3A_741 = arith.remsi %sub3A_711, %select_n3A_740 : i32
        %ne3A_742 = arith.constant 0 : i32
        %ne3A_743 = arith.cmpi ne, %rem3A_741, %ne3A_742 : i32
        %lt3A_744 = arith.constant 0 : i32
        %lt3A_745 = arith.cmpi slt, %rem3A_741, %lt3A_744 : i32
        %lt3A_746 = arith.constant 0 : i32
        %lt3A_747 = arith.cmpi slt, %select_n3A_740, %lt3A_746 : i32
        %ne3A_748 = arith.xori %lt3A_745, %lt3A_747 : i1
        %and3A_749 = arith.andi %ne3A_748, %ne3A_743 : i1
        %add3A_750 = arith.addi %rem3A_741, %select_n3A_740 : i32
        %select_n3A_751 = arith.select %and3A_749, %add3A_750, %rem3A_741 : i32
        %mul3A_752 = arith.constant 128 : i32
        %mul3A_753 = arith.muli %select_n3A_751, %mul3A_752 : i32
        %dma_wait3A_754 = arith.constant 1 : i32
        %dma_wait3A_755 = arith.constant 0 : i32
        %dma_wait3A_756 = arith.constant 0 : i32
        %dma_wait3A_757 = tpu.memref_slice %arg10[%dma_wait3A_754, %dma_wait3A_755, %dma_wait3A_756] : memref<2x64x128xf32, #tpu.memory_space<vmem>> -> memref<1x64x128xf32, #tpu.memory_space<vmem>>
        %dma_wait3A_758 = tpu.memref_squeeze %dma_wait3A_757 : memref<1x64x128xf32, #tpu.memory_space<vmem>> -> memref<64x128xf32, #tpu.memory_space<vmem>>
        %dma_wait3A_759 = arith.constant 0 : i32
        %dma_wait3A_760 = tpu.memref_slice %arg5[%select_n3A_735, %dma_wait3A_759, %mul3A_753] : memref<200x64x1024xf32, #tpu.memory_space<hbm>> -> memref<1x64x128xf32, #tpu.memory_space<hbm>>
        %dma_wait3A_761 = tpu.memref_squeeze %dma_wait3A_760 : memref<1x64x128xf32, #tpu.memory_space<hbm>> -> memref<64x128xf32, #tpu.memory_space<hbm>>
        %dma_wait3A_762 = arith.constant 0 : i32
        %dma_wait3A_763 = tpu.memref_slice %arg5[%select_n3A_735, %dma_wait3A_762, %mul3A_753] : memref<200x64x1024xf32, #tpu.memory_space<hbm>> -> memref<1x64x128xf32, #tpu.memory_space<hbm>>
        %dma_wait3A_764 = tpu.memref_squeeze %dma_wait3A_763 : memref<1x64x128xf32, #tpu.memory_space<hbm>> -> memref<64x128xf32, #tpu.memory_space<hbm>>
        %dma_wait3A_765 = arith.constant 0 : i32
        %dma_wait3A_766 = arith.constant 0 : i32
        %dma_wait3A_767 = tpu.memref_slice %arg10[%dma_wait3A_754, %dma_wait3A_765, %dma_wait3A_766] : memref<2x64x128xf32, #tpu.memory_space<vmem>> -> memref<1x64x128xf32, #tpu.memory_space<vmem>>
        %dma_wait3A_768 = tpu.memref_squeeze %dma_wait3A_767 : memref<1x64x128xf32, #tpu.memory_space<vmem>> -> memref<64x128xf32, #tpu.memory_space<vmem>>
        tpu.wait_dma2 semaphore(%arg14 : memref<!tpu.dma_semaphore, #tpu.memory_space<semaphore_mem>>) src(%dma_wait3A_768 : memref<64x128xf32, #tpu.memory_space<vmem>>) dst(%dma_wait3A_764 : memref<64x128xf32, #tpu.memory_space<hbm>>)
      } else {
      }
      %get3A_630 = arith.index_cast %select_n3A_594 : i32 to index
      %get3A_631 = arith.constant 0 : index
      %get3A_632 = tpu.vector_load %arg7[%get3A_630, %get3A_631] {strides = array<i32>} : memref<200x64xf32, #tpu.memory_space<vmem>>, vector<16xf32>,
      %get3A_633 = arith.index_cast %select_n3A_594 : i32 to index
      %get3A_634 = arith.constant 16 : index
      %get3A_635 = tpu.vector_load %arg7[%get3A_633, %get3A_634] {strides = array<i32>} : memref<200x64xf32, #tpu.memory_space<vmem>>, vector<16xf32>,
      %get3A_636 = arith.index_cast %select_n3A_594 : i32 to index
      %get3A_637 = arith.constant 32 : index
      %get3A_638 = tpu.vector_load %arg7[%get3A_636, %get3A_637] {strides = array<i32>} : memref<200x64xf32, #tpu.memory_space<vmem>>, vector<16xf32>,
      %get3A_639 = arith.index_cast %select_n3A_594 : i32 to index
      %get3A_640 = arith.constant 48 : index
      %get3A_641 = tpu.vector_load %arg7[%get3A_639, %get3A_640] {strides = array<i32>} : memref<200x64xf32, #tpu.memory_space<vmem>>, vector<16xf32>,
      %scan3A_642 = arith.constant 1 : i32
      %scan3A_643 = arith.constant 0 : i32
      %scan3A_644 = arith.constant 128 : i32
      %scan3A_645 = arith.addi %scan3A_643, %scan3A_644 : i32
      %scan3A_646 = arith.constant 4 : i32
      scf.for %scan3A_710 = %scan3A_643 to %scan3A_645 step %scan3A_646  : i32 {
        %mul3A_711 = arith.constant 1 : i32
        %mul3A_712 = arith.muli %scan3A_710, %mul3A_711 : i32
        %add3A_713 = arith.constant 0 : i32
        %add3A_714 = arith.addi %add3A_713, %mul3A_712 : i32
        %broadcast_in_dim3A = vector.broadcast %add3A_714 : i32 to vector<16xi32>
        %get3A_715 = arith.constant 1 : i32
        %get3A_716 = arith.index_cast %get3A_715 : i32 to index
        %get3A_717 = arith.index_cast %add3A_714 : i32 to index
        %get3A_718 = arith.constant 0 : index
        %get3A_719 = tpu.vector_load %arg9[%get3A_716, %get3A_717, %get3A_718] {strides = array<i32>} : memref<2x128x128xf32, #tpu.memory_space<vmem>>, vector<16xf32>,
        %add3A_720 = arith.addf %get3A_719, %get3A_632 : vector<16xf32>
        %add3A_721 = arith.constant 0 : i32
        %add3A_722 = vector.broadcast %add3A_721 : i32 to vector<16xi32>
        %add3A_723 = arith.addi %iota3A, %add3A_722 : vector<16xi32>
        %scatter3A = arith.constant 0 : i32
        %scatter3A_724 = arith.constant 0 : i32
        %scatter3A_725 = tpu.memref_slice %arg10[%scan3A_642, %scatter3A, %scatter3A_724] : memref<2x64x128xf32, #tpu.memory_space<vmem>> -> memref<1x64x128xf32, #tpu.memory_space<vmem>>
        %scatter3A_726 = tpu.memref_squeeze %scatter3A_725 : memref<1x64x128xf32, #tpu.memory_space<vmem>> -> memref<64x128xf32, #tpu.memory_space<vmem>>
        tpu.vector_store_idx %scatter3A_726[%add3A_723, %broadcast_in_dim3A], %add3A_720 : memref<64x128xf32, #tpu.memory_space<vmem>>[vector<16xi32>, vector<16xi32>], vector<16xf32>,
        %get3A_727 = arith.constant 1 : i32
        %get3A_728 = arith.index_cast %get3A_727 : i32 to index
        %get3A_729 = arith.index_cast %add3A_714 : i32 to index
        %get3A_730 = arith.constant 16 : index
        %get3A_731 = tpu.vector_load %arg9[%get3A_728, %get3A_729, %get3A_730] {strides = array<i32>} : memref<2x128x128xf32, #tpu.memory_space<vmem>>, vector<16xf32>,
        %add3A_732 = arith.addf %get3A_731, %get3A_635 : vector<16xf32>
        %add3A_733 = arith.constant 16 : i32
        %add3A_734 = vector.broadcast %add3A_733 : i32 to vector<16xi32>
        %add3A_735 = arith.addi %iota3A, %add3A_734 : vector<16xi32>
        %scatter3A_736 = arith.constant 0 : i32
        %scatter3A_737 = arith.constant 0 : i32
        %scatter3A_738 = tpu.memref_slice %arg10[%scan3A_642, %scatter3A_736, %scatter3A_737] : memref<2x64x128xf32, #tpu.memory_space<vmem>> -> memref<1x64x128xf32, #tpu.memory_space<vmem>>
        %scatter3A_739 = tpu.memref_squeeze %scatter3A_738 : memref<1x64x128xf32, #tpu.memory_space<vmem>> -> memref<64x128xf32, #tpu.memory_space<vmem>>
        tpu.vector_store_idx %scatter3A_739[%add3A_735, %broadcast_in_dim3A], %add3A_732 : memref<64x128xf32, #tpu.memory_space<vmem>>[vector<16xi32>, vector<16xi32>], vector<16xf32>,
        %get3A_740 = arith.constant 1 : i32
        %get3A_741 = arith.index_cast %get3A_740 : i32 to index
        %get3A_742 = arith.index_cast %add3A_714 : i32 to index
        %get3A_743 = arith.constant 32 : index
        %get3A_744 = tpu.vector_load %arg9[%get3A_741, %get3A_742, %get3A_743] {strides = array<i32>} : memref<2x128x128xf32, #tpu.memory_space<vmem>>, vector<16xf32>,
        %add3A_745 = arith.addf %get3A_744, %get3A_638 : vector<16xf32>
        %add3A_746 = arith.constant 32 : i32
        %add3A_747 = vector.broadcast %add3A_746 : i32 to vector<16xi32>
        %add3A_748 = arith.addi %iota3A, %add3A_747 : vector<16xi32>
        %scatter3A_749 = arith.constant 0 : i32
        %scatter3A_750 = arith.constant 0 : i32
        %scatter3A_751 = tpu.memref_slice %arg10[%scan3A_642, %scatter3A_749, %scatter3A_750] : memref<2x64x128xf32, #tpu.memory_space<vmem>> -> memref<1x64x128xf32, #tpu.memory_space<vmem>>
        %scatter3A_752 = tpu.memref_squeeze %scatter3A_751 : memref<1x64x128xf32, #tpu.memory_space<vmem>> -> memref<64x128xf32, #tpu.memory_space<vmem>>
        tpu.vector_store_idx %scatter3A_752[%add3A_748, %broadcast_in_dim3A], %add3A_745 : memref<64x128xf32, #tpu.memory_space<vmem>>[vector<16xi32>, vector<16xi32>], vector<16xf32>,
        %get3A_753 = arith.constant 1 : i32
        %get3A_754 = arith.index_cast %get3A_753 : i32 to index
        %get3A_755 = arith.index_cast %add3A_714 : i32 to index
        %get3A_756 = arith.constant 48 : index
        %get3A_757 = tpu.vector_load %arg9[%get3A_754, %get3A_755, %get3A_756] {strides = array<i32>} : memref<2x128x128xf32, #tpu.memory_space<vmem>>, vector<16xf32>,
        %add3A_758 = arith.addf %get3A_757, %get3A_641 : vector<16xf32>
        %add3A_759 = arith.constant 48 : i32
        %add3A_760 = vector.broadcast %add3A_759 : i32 to vector<16xi32>
        %add3A_761 = arith.addi %iota3A, %add3A_760 : vector<16xi32>
        %scatter3A_762 = arith.constant 0 : i32
        %scatter3A_763 = arith.constant 0 : i32
        %scatter3A_764 = tpu.memref_slice %arg10[%scan3A_642, %scatter3A_762, %scatter3A_763] : memref<2x64x128xf32, #tpu.memory_space<vmem>> -> memref<1x64x128xf32, #tpu.memory_space<vmem>>
        %scatter3A_765 = tpu.memref_squeeze %scatter3A_764 : memref<1x64x128xf32, #tpu.memory_space<vmem>> -> memref<64x128xf32, #tpu.memory_space<vmem>>
        tpu.vector_store_idx %scatter3A_765[%add3A_761, %broadcast_in_dim3A], %add3A_758 : memref<64x128xf32, #tpu.memory_space<vmem>>[vector<16xi32>, vector<16xi32>], vector<16xf32>,
        %scan3A_766 = arith.constant 1 : i32
        %scan3A_767 = arith.addi %scan3A_710, %scan3A_766 : i32
        %mul3A_768 = arith.constant 1 : i32
        %mul3A_769 = arith.muli %scan3A_767, %mul3A_768 : i32
        %add3A_770 = arith.constant 0 : i32
        %add3A_771 = arith.addi %add3A_770, %mul3A_769 : i32
        %broadcast_in_dim3A_772 = vector.broadcast %add3A_771 : i32 to vector<16xi32>
        %get3A_773 = arith.constant 1 : i32
        %get3A_774 = arith.index_cast %get3A_773 : i32 to index
        %get3A_775 = arith.index_cast %add3A_771 : i32 to index
        %get3A_776 = arith.constant 0 : index
        %get3A_777 = tpu.vector_load %arg9[%get3A_774, %get3A_775, %get3A_776] {strides = array<i32>} : memref<2x128x128xf32, #tpu.memory_space<vmem>>, vector<16xf32>,
        %add3A_778 = arith.addf %get3A_777, %get3A_632 : vector<16xf32>
        %add3A_779 = arith.constant 0 : i32
        %add3A_780 = vector.broadcast %add3A_779 : i32 to vector<16xi32>
        %add3A_781 = arith.addi %iota3A, %add3A_780 : vector<16xi32>
        %scatter3A_782 = arith.constant 0 : i32
        %scatter3A_783 = arith.constant 0 : i32
        %scatter3A_784 = tpu.memref_slice %arg10[%scan3A_642, %scatter3A_782, %scatter3A_783] : memref<2x64x128xf32, #tpu.memory_space<vmem>> -> memref<1x64x128xf32, #tpu.memory_space<vmem>>
        %scatter3A_785 = tpu.memref_squeeze %scatter3A_784 : memref<1x64x128xf32, #tpu.memory_space<vmem>> -> memref<64x128xf32, #tpu.memory_space<vmem>>
        tpu.vector_store_idx %scatter3A_785[%add3A_781, %broadcast_in_dim3A_772], %add3A_778 : memref<64x128xf32, #tpu.memory_space<vmem>>[vector<16xi32>, vector<16xi32>], vector<16xf32>,
        %get3A_786 = arith.constant 1 : i32
        %get3A_787 = arith.index_cast %get3A_786 : i32 to index
        %get3A_788 = arith.index_cast %add3A_771 : i32 to index
        %get3A_789 = arith.constant 16 : index
        %get3A_790 = tpu.vector_load %arg9[%get3A_787, %get3A_788, %get3A_789] {strides = array<i32>} : memref<2x128x128xf32, #tpu.memory_space<vmem>>, vector<16xf32>,
        %add3A_791 = arith.addf %get3A_790, %get3A_635 : vector<16xf32>
        %add3A_792 = arith.constant 16 : i32
        %add3A_793 = vector.broadcast %add3A_792 : i32 to vector<16xi32>
        %add3A_794 = arith.addi %iota3A, %add3A_793 : vector<16xi32>
        %scatter3A_795 = arith.constant 0 : i32
        %scatter3A_796 = arith.constant 0 : i32
        %scatter3A_797 = tpu.memref_slice %arg10[%scan3A_642, %scatter3A_795, %scatter3A_796] : memref<2x64x128xf32, #tpu.memory_space<vmem>> -> memref<1x64x128xf32, #tpu.memory_space<vmem>>
        %scatter3A_798 = tpu.memref_squeeze %scatter3A_797 : memref<1x64x128xf32, #tpu.memory_space<vmem>> -> memref<64x128xf32, #tpu.memory_space<vmem>>
        tpu.vector_store_idx %scatter3A_798[%add3A_794, %broadcast_in_dim3A_772], %add3A_791 : memref<64x128xf32, #tpu.memory_space<vmem>>[vector<16xi32>, vector<16xi32>], vector<16xf32>,
        %get3A_799 = arith.constant 1 : i32
        %get3A_800 = arith.index_cast %get3A_799 : i32 to index
        %get3A_801 = arith.index_cast %add3A_771 : i32 to index
        %get3A_802 = arith.constant 32 : index
        %get3A_803 = tpu.vector_load %arg9[%get3A_800, %get3A_801, %get3A_802] {strides = array<i32>} : memref<2x128x128xf32, #tpu.memory_space<vmem>>, vector<16xf32>,
        %add3A_804 = arith.addf %get3A_803, %get3A_638 : vector<16xf32>
        %add3A_805 = arith.constant 32 : i32
        %add3A_806 = vector.broadcast %add3A_805 : i32 to vector<16xi32>
        %add3A_807 = arith.addi %iota3A, %add3A_806 : vector<16xi32>
        %scatter3A_808 = arith.constant 0 : i32
        %scatter3A_809 = arith.constant 0 : i32
        %scatter3A_810 = tpu.memref_slice %arg10[%scan3A_642, %scatter3A_808, %scatter3A_809] : memref<2x64x128xf32, #tpu.memory_space<vmem>> -> memref<1x64x128xf32, #tpu.memory_space<vmem>>
        %scatter3A_811 = tpu.memref_squeeze %scatter3A_810 : memref<1x64x128xf32, #tpu.memory_space<vmem>> -> memref<64x128xf32, #tpu.memory_space<vmem>>
        tpu.vector_store_idx %scatter3A_811[%add3A_807, %broadcast_in_dim3A_772], %add3A_804 : memref<64x128xf32, #tpu.memory_space<vmem>>[vector<16xi32>, vector<16xi32>], vector<16xf32>,
        %get3A_812 = arith.constant 1 : i32
        %get3A_813 = arith.index_cast %get3A_812 : i32 to index
        %get3A_814 = arith.index_cast %add3A_771 : i32 to index
        %get3A_815 = arith.constant 48 : index
        %get3A_816 = tpu.vector_load %arg9[%get3A_813, %get3A_814, %get3A_815] {strides = array<i32>} : memref<2x128x128xf32, #tpu.memory_space<vmem>>, vector<16xf32>,
        %add3A_817 = arith.addf %get3A_816, %get3A_641 : vector<16xf32>
        %add3A_818 = arith.constant 48 : i32
        %add3A_819 = vector.broadcast %add3A_818 : i32 to vector<16xi32>
        %add3A_820 = arith.addi %iota3A, %add3A_819 : vector<16xi32>
        %scatter3A_821 = arith.constant 0 : i32
        %scatter3A_822 = arith.constant 0 : i32
        %scatter3A_823 = tpu.memref_slice %arg10[%scan3A_642, %scatter3A_821, %scatter3A_822] : memref<2x64x128xf32, #tpu.memory_space<vmem>> -> memref<1x64x128xf32, #tpu.memory_space<vmem>>
        %scatter3A_824 = tpu.memref_squeeze %scatter3A_823 : memref<1x64x128xf32, #tpu.memory_space<vmem>> -> memref<64x128xf32, #tpu.memory_space<vmem>>
        tpu.vector_store_idx %scatter3A_824[%add3A_820, %broadcast_in_dim3A_772], %add3A_817 : memref<64x128xf32, #tpu.memory_space<vmem>>[vector<16xi32>, vector<16xi32>], vector<16xf32>,
        %scan3A_825 = arith.constant 2 : i32
        %scan3A_826 = arith.addi %scan3A_710, %scan3A_825 : i32
        %mul3A_827 = arith.constant 1 : i32
        %mul3A_828 = arith.muli %scan3A_826, %mul3A_827 : i32
        %add3A_829 = arith.constant 0 : i32
        %add3A_830 = arith.addi %add3A_829, %mul3A_828 : i32
        %broadcast_in_dim3A_831 = vector.broadcast %add3A_830 : i32 to vector<16xi32>
        %get3A_832 = arith.constant 1 : i32
        %get3A_833 = arith.index_cast %get3A_832 : i32 to index
        %get3A_834 = arith.index_cast %add3A_830 : i32 to index
        %get3A_835 = arith.constant 0 : index
        %get3A_836 = tpu.vector_load %arg9[%get3A_833, %get3A_834, %get3A_835] {strides = array<i32>} : memref<2x128x128xf32, #tpu.memory_space<vmem>>, vector<16xf32>,
        %add3A_837 = arith.addf %get3A_836, %get3A_632 : vector<16xf32>
        %add3A_838 = arith.constant 0 : i32
        %add3A_839 = vector.broadcast %add3A_838 : i32 to vector<16xi32>
        %add3A_840 = arith.addi %iota3A, %add3A_839 : vector<16xi32>
        %scatter3A_841 = arith.constant 0 : i32
        %scatter3A_842 = arith.constant 0 : i32
        %scatter3A_843 = tpu.memref_slice %arg10[%scan3A_642, %scatter3A_841, %scatter3A_842] : memref<2x64x128xf32, #tpu.memory_space<vmem>> -> memref<1x64x128xf32, #tpu.memory_space<vmem>>
        %scatter3A_844 = tpu.memref_squeeze %scatter3A_843 : memref<1x64x128xf32, #tpu.memory_space<vmem>> -> memref<64x128xf32, #tpu.memory_space<vmem>>
        tpu.vector_store_idx %scatter3A_844[%add3A_840, %broadcast_in_dim3A_831], %add3A_837 : memref<64x128xf32, #tpu.memory_space<vmem>>[vector<16xi32>, vector<16xi32>], vector<16xf32>,
        %get3A_845 = arith.constant 1 : i32
        %get3A_846 = arith.index_cast %get3A_845 : i32 to index
        %get3A_847 = arith.index_cast %add3A_830 : i32 to index
        %get3A_848 = arith.constant 16 : index
        %get3A_849 = tpu.vector_load %arg9[%get3A_846, %get3A_847, %get3A_848] {strides = array<i32>} : memref<2x128x128xf32, #tpu.memory_space<vmem>>, vector<16xf32>,
        %add3A_850 = arith.addf %get3A_849, %get3A_635 : vector<16xf32>
        %add3A_851 = arith.constant 16 : i32
        %add3A_852 = vector.broadcast %add3A_851 : i32 to vector<16xi32>
        %add3A_853 = arith.addi %iota3A, %add3A_852 : vector<16xi32>
        %scatter3A_854 = arith.constant 0 : i32
        %scatter3A_855 = arith.constant 0 : i32
        %scatter3A_856 = tpu.memref_slice %arg10[%scan3A_642, %scatter3A_854, %scatter3A_855] : memref<2x64x128xf32, #tpu.memory_space<vmem>> -> memref<1x64x128xf32, #tpu.memory_space<vmem>>
        %scatter3A_857 = tpu.memref_squeeze %scatter3A_856 : memref<1x64x128xf32, #tpu.memory_space<vmem>> -> memref<64x128xf32, #tpu.memory_space<vmem>>
        tpu.vector_store_idx %scatter3A_857[%add3A_853, %broadcast_in_dim3A_831], %add3A_850 : memref<64x128xf32, #tpu.memory_space<vmem>>[vector<16xi32>, vector<16xi32>], vector<16xf32>,
        %get3A_858 = arith.constant 1 : i32
        %get3A_859 = arith.index_cast %get3A_858 : i32 to index
        %get3A_860 = arith.index_cast %add3A_830 : i32 to index
        %get3A_861 = arith.constant 32 : index
        %get3A_862 = tpu.vector_load %arg9[%get3A_859, %get3A_860, %get3A_861] {strides = array<i32>} : memref<2x128x128xf32, #tpu.memory_space<vmem>>, vector<16xf32>,
        %add3A_863 = arith.addf %get3A_862, %get3A_638 : vector<16xf32>
        %add3A_864 = arith.constant 32 : i32
        %add3A_865 = vector.broadcast %add3A_864 : i32 to vector<16xi32>
        %add3A_866 = arith.addi %iota3A, %add3A_865 : vector<16xi32>
        %scatter3A_867 = arith.constant 0 : i32
        %scatter3A_868 = arith.constant 0 : i32
        %scatter3A_869 = tpu.memref_slice %arg10[%scan3A_642, %scatter3A_867, %scatter3A_868] : memref<2x64x128xf32, #tpu.memory_space<vmem>> -> memref<1x64x128xf32, #tpu.memory_space<vmem>>
        %scatter3A_870 = tpu.memref_squeeze %scatter3A_869 : memref<1x64x128xf32, #tpu.memory_space<vmem>> -> memref<64x128xf32, #tpu.memory_space<vmem>>
        tpu.vector_store_idx %scatter3A_870[%add3A_866, %broadcast_in_dim3A_831], %add3A_863 : memref<64x128xf32, #tpu.memory_space<vmem>>[vector<16xi32>, vector<16xi32>], vector<16xf32>,
        %get3A_871 = arith.constant 1 : i32
        %get3A_872 = arith.index_cast %get3A_871 : i32 to index
        %get3A_873 = arith.index_cast %add3A_830 : i32 to index
        %get3A_874 = arith.constant 48 : index
        %get3A_875 = tpu.vector_load %arg9[%get3A_872, %get3A_873, %get3A_874] {strides = array<i32>} : memref<2x128x128xf32, #tpu.memory_space<vmem>>, vector<16xf32>,
        %add3A_876 = arith.addf %get3A_875, %get3A_641 : vector<16xf32>
        %add3A_877 = arith.constant 48 : i32
        %add3A_878 = vector.broadcast %add3A_877 : i32 to vector<16xi32>
        %add3A_879 = arith.addi %iota3A, %add3A_878 : vector<16xi32>
        %scatter3A_880 = arith.constant 0 : i32
        %scatter3A_881 = arith.constant 0 : i32
        %scatter3A_882 = tpu.memref_slice %arg10[%scan3A_642, %scatter3A_880, %scatter3A_881] : memref<2x64x128xf32, #tpu.memory_space<vmem>> -> memref<1x64x128xf32, #tpu.memory_space<vmem>>
        %scatter3A_883 = tpu.memref_squeeze %scatter3A_882 : memref<1x64x128xf32, #tpu.memory_space<vmem>> -> memref<64x128xf32, #tpu.memory_space<vmem>>
        tpu.vector_store_idx %scatter3A_883[%add3A_879, %broadcast_in_dim3A_831], %add3A_876 : memref<64x128xf32, #tpu.memory_space<vmem>>[vector<16xi32>, vector<16xi32>], vector<16xf32>,
        %scan3A_884 = arith.constant 3 : i32
        %scan3A_885 = arith.addi %scan3A_710, %scan3A_884 : i32
        %mul3A_886 = arith.constant 1 : i32
        %mul3A_887 = arith.muli %scan3A_885, %mul3A_886 : i32
        %add3A_888 = arith.constant 0 : i32
        %add3A_889 = arith.addi %add3A_888, %mul3A_887 : i32
        %broadcast_in_dim3A_890 = vector.broadcast %add3A_889 : i32 to vector<16xi32>
        %get3A_891 = arith.constant 1 : i32
        %get3A_892 = arith.index_cast %get3A_891 : i32 to index
        %get3A_893 = arith.index_cast %add3A_889 : i32 to index
        %get3A_894 = arith.constant 0 : index
        %get3A_895 = tpu.vector_load %arg9[%get3A_892, %get3A_893, %get3A_894] {strides = array<i32>} : memref<2x128x128xf32, #tpu.memory_space<vmem>>, vector<16xf32>,
        %add3A_896 = arith.addf %get3A_895, %get3A_632 : vector<16xf32>
        %add3A_897 = arith.constant 0 : i32
        %add3A_898 = vector.broadcast %add3A_897 : i32 to vector<16xi32>
        %add3A_899 = arith.addi %iota3A, %add3A_898 : vector<16xi32>
        %scatter3A_900 = arith.constant 0 : i32
        %scatter3A_901 = arith.constant 0 : i32
        %scatter3A_902 = tpu.memref_slice %arg10[%scan3A_642, %scatter3A_900, %scatter3A_901] : memref<2x64x128xf32, #tpu.memory_space<vmem>> -> memref<1x64x128xf32, #tpu.memory_space<vmem>>
        %scatter3A_903 = tpu.memref_squeeze %scatter3A_902 : memref<1x64x128xf32, #tpu.memory_space<vmem>> -> memref<64x128xf32, #tpu.memory_space<vmem>>
        tpu.vector_store_idx %scatter3A_903[%add3A_899, %broadcast_in_dim3A_890], %add3A_896 : memref<64x128xf32, #tpu.memory_space<vmem>>[vector<16xi32>, vector<16xi32>], vector<16xf32>,
        %get3A_904 = arith.constant 1 : i32
        %get3A_905 = arith.index_cast %get3A_904 : i32 to index
        %get3A_906 = arith.index_cast %add3A_889 : i32 to index
        %get3A_907 = arith.constant 16 : index
        %get3A_908 = tpu.vector_load %arg9[%get3A_905, %get3A_906, %get3A_907] {strides = array<i32>} : memref<2x128x128xf32, #tpu.memory_space<vmem>>, vector<16xf32>,
        %add3A_909 = arith.addf %get3A_908, %get3A_635 : vector<16xf32>
        %add3A_910 = arith.constant 16 : i32
        %add3A_911 = vector.broadcast %add3A_910 : i32 to vector<16xi32>
        %add3A_912 = arith.addi %iota3A, %add3A_911 : vector<16xi32>
        %scatter3A_913 = arith.constant 0 : i32
        %scatter3A_914 = arith.constant 0 : i32
        %scatter3A_915 = tpu.memref_slice %arg10[%scan3A_642, %scatter3A_913, %scatter3A_914] : memref<2x64x128xf32, #tpu.memory_space<vmem>> -> memref<1x64x128xf32, #tpu.memory_space<vmem>>
        %scatter3A_916 = tpu.memref_squeeze %scatter3A_915 : memref<1x64x128xf32, #tpu.memory_space<vmem>> -> memref<64x128xf32, #tpu.memory_space<vmem>>
        tpu.vector_store_idx %scatter3A_916[%add3A_912, %broadcast_in_dim3A_890], %add3A_909 : memref<64x128xf32, #tpu.memory_space<vmem>>[vector<16xi32>, vector<16xi32>], vector<16xf32>,
        %get3A_917 = arith.constant 1 : i32
        %get3A_918 = arith.index_cast %get3A_917 : i32 to index
        %get3A_919 = arith.index_cast %add3A_889 : i32 to index
        %get3A_920 = arith.constant 32 : index
        %get3A_921 = tpu.vector_load %arg9[%get3A_918, %get3A_919, %get3A_920] {strides = array<i32>} : memref<2x128x128xf32, #tpu.memory_space<vmem>>, vector<16xf32>,
        %add3A_922 = arith.addf %get3A_921, %get3A_638 : vector<16xf32>
        %add3A_923 = arith.constant 32 : i32
        %add3A_924 = vector.broadcast %add3A_923 : i32 to vector<16xi32>
        %add3A_925 = arith.addi %iota3A, %add3A_924 : vector<16xi32>
        %scatter3A_926 = arith.constant 0 : i32
        %scatter3A_927 = arith.constant 0 : i32
        %scatter3A_928 = tpu.memref_slice %arg10[%scan3A_642, %scatter3A_926, %scatter3A_927] : memref<2x64x128xf32, #tpu.memory_space<vmem>> -> memref<1x64x128xf32, #tpu.memory_space<vmem>>
        %scatter3A_929 = tpu.memref_squeeze %scatter3A_928 : memref<1x64x128xf32, #tpu.memory_space<vmem>> -> memref<64x128xf32, #tpu.memory_space<vmem>>
        tpu.vector_store_idx %scatter3A_929[%add3A_925, %broadcast_in_dim3A_890], %add3A_922 : memref<64x128xf32, #tpu.memory_space<vmem>>[vector<16xi32>, vector<16xi32>], vector<16xf32>,
        %get3A_930 = arith.constant 1 : i32
        %get3A_931 = arith.index_cast %get3A_930 : i32 to index
        %get3A_932 = arith.index_cast %add3A_889 : i32 to index
        %get3A_933 = arith.constant 48 : index
        %get3A_934 = tpu.vector_load %arg9[%get3A_931, %get3A_932, %get3A_933] {strides = array<i32>} : memref<2x128x128xf32, #tpu.memory_space<vmem>>, vector<16xf32>,
        %add3A_935 = arith.addf %get3A_934, %get3A_641 : vector<16xf32>
        %add3A_936 = arith.constant 48 : i32
        %add3A_937 = vector.broadcast %add3A_936 : i32 to vector<16xi32>
        %add3A_938 = arith.addi %iota3A, %add3A_937 : vector<16xi32>
        %scatter3A_939 = arith.constant 0 : i32
        %scatter3A_940 = arith.constant 0 : i32
        %scatter3A_941 = tpu.memref_slice %arg10[%scan3A_642, %scatter3A_939, %scatter3A_940] : memref<2x64x128xf32, #tpu.memory_space<vmem>> -> memref<1x64x128xf32, #tpu.memory_space<vmem>>
        %scatter3A_942 = tpu.memref_squeeze %scatter3A_941 : memref<1x64x128xf32, #tpu.memory_space<vmem>> -> memref<64x128xf32, #tpu.memory_space<vmem>>
        tpu.vector_store_idx %scatter3A_942[%add3A_938, %broadcast_in_dim3A_890], %add3A_935 : memref<64x128xf32, #tpu.memory_space<vmem>>[vector<16xi32>, vector<16xi32>], vector<16xf32>,
      }
      %scan3A_647 = arith.constant 128 : i32
      %jit3A_648 = arith.constant 8 : i32
      %div3A_649 = arith.divsi %add3A_570, %jit3A_648 : i32
      %sign3A_650 = arith.constant 0 : i32
      %sign3A_651 = arith.cmpi sgt, %add3A_570, %sign3A_650 : i32
      %sign3A_652 = arith.extui %sign3A_651 : i1 to i32
      %sign3A_653 = arith.constant 0 : i32
      %sign3A_654 = arith.cmpi slt, %add3A_570, %sign3A_653 : i32
      %sign3A_655 = arith.extui %sign3A_654 : i1 to i32
      %sign3A_656 = arith.subi %sign3A_652, %sign3A_655 : i32
      %sign3A_657 = arith.constant 0 : i32
      %sign3A_658 = arith.cmpi sgt, %jit3A_648, %sign3A_657 : i32
      %sign3A_659 = arith.extui %sign3A_658 : i1 to i32
      %sign3A_660 = arith.constant 0 : i32
      %sign3A_661 = arith.cmpi slt, %jit3A_648, %sign3A_660 : i32
      %sign3A_662 = arith.extui %sign3A_661 : i1 to i32
      %sign3A_663 = arith.subi %sign3A_659, %sign3A_662 : i32
      %ne3A_664 = arith.cmpi ne, %sign3A_656, %sign3A_663 : i32
      %rem3A_665 = arith.remsi %add3A_570, %jit3A_648 : i32
      %ne3A_666 = arith.constant 0 : i32
      %ne3A_667 = arith.cmpi ne, %rem3A_665, %ne3A_666 : i32
      %and3A_668 = arith.andi %ne3A_664, %ne3A_667 : i1
      %sub3A_669 = arith.constant 1 : i32
      %sub3A_670 = arith.subi %div3A_649, %sub3A_669 : i32
      %select_n3A_671 = arith.select %and3A_668, %sub3A_670, %div3A_649 : i32
      %jit3A_672 = arith.constant 8 : i32
      %eq3A_673 = arith.constant 0 : i32
      %eq3A_674 = arith.cmpi eq, %jit3A_672, %eq3A_673 : i32
      %jit3A_675 = arith.constant 1 : i32
      %select_n3A_676 = arith.select %eq3A_674, %jit3A_675, %jit3A_672 : i32
      %rem3A_677 = arith.remsi %add3A_570, %select_n3A_676 : i32
      %ne3A_678 = arith.constant 0 : i32
      %ne3A_679 = arith.cmpi ne, %rem3A_677, %ne3A_678 : i32
      %lt3A_680 = arith.constant 0 : i32
      %lt3A_681 = arith.cmpi slt, %rem3A_677, %lt3A_680 : i32
      %lt3A_682 = arith.constant 0 : i32
      %lt3A_683 = arith.cmpi slt, %select_n3A_676, %lt3A_682 : i32
      %ne3A_684 = arith.xori %lt3A_681, %lt3A_683 : i1
      %and3A_685 = arith.andi %ne3A_684, %ne3A_679 : i1
      %add3A_686 = arith.addi %rem3A_677, %select_n3A_676 : i32
      %select_n3A_687 = arith.select %and3A_685, %add3A_686, %rem3A_677 : i32
      %mul3A_688 = arith.constant 128 : i32
      %mul3A_689 = arith.muli %select_n3A_687, %mul3A_688 : i32
      %dma_start3A_690 = arith.constant 1 : i32
      %dma_start3A_691 = arith.constant 0 : i32
      %dma_start3A_692 = arith.constant 0 : i32
      %dma_start3A_693 = tpu.memref_slice %arg10[%dma_start3A_690, %dma_start3A_691, %dma_start3A_692] : memref<2x64x128xf32, #tpu.memory_space<vmem>> -> memref<1x64x128xf32, #tpu.memory_space<vmem>>
      %dma_start3A_694 = tpu.memref_squeeze %dma_start3A_693 : memref<1x64x128xf32, #tpu.memory_space<vmem>> -> memref<64x128xf32, #tpu.memory_space<vmem>>
      %dma_start3A_695 = arith.constant 0 : i32
      %dma_start3A_696 = tpu.memref_slice %arg5[%select_n3A_671, %dma_start3A_695, %mul3A_689] : memref<200x64x1024xf32, #tpu.memory_space<hbm>> -> memref<1x64x128xf32, #tpu.memory_space<hbm>>
      %dma_start3A_697 = tpu.memref_squeeze %dma_start3A_696 : memref<1x64x128xf32, #tpu.memory_space<hbm>> -> memref<64x128xf32, #tpu.memory_space<hbm>>
      %dma_start3A_698 = arith.constant 0 : i32
      %dma_start3A_699 = tpu.memref_slice %arg5[%select_n3A_671, %dma_start3A_698, %mul3A_689] : memref<200x64x1024xf32, #tpu.memory_space<hbm>> -> memref<1x64x128xf32, #tpu.memory_space<hbm>>
      %dma_start3A_700 = tpu.memref_squeeze %dma_start3A_699 : memref<1x64x128xf32, #tpu.memory_space<hbm>> -> memref<64x128xf32, #tpu.memory_space<hbm>>
      %dma_start3A_701 = arith.constant 0 : i32
      %dma_start3A_702 = arith.constant 0 : i32
      %dma_start3A_703 = tpu.memref_slice %arg10[%dma_start3A_690, %dma_start3A_701, %dma_start3A_702] : memref<2x64x128xf32, #tpu.memory_space<vmem>> -> memref<1x64x128xf32, #tpu.memory_space<vmem>>
      %dma_start3A_704 = tpu.memref_squeeze %dma_start3A_703 : memref<1x64x128xf32, #tpu.memory_space<vmem>> -> memref<64x128xf32, #tpu.memory_space<vmem>>
      tpu.enqueue_dma source(%dma_start3A_704 : memref<64x128xf32, #tpu.memory_space<vmem>>) target(%dma_start3A_700 : memref<64x128xf32, #tpu.memory_space<hbm>>) target_semaphore(%arg14 : memref<!tpu.dma_semaphore, #tpu.memory_space<semaphore_mem>>)
      %lt3A_705 = arith.constant 48 : i32
      %lt3A_706 = arith.cmpi slt, %add3A_569, %lt3A_705 : i32
      %convert_element_type3A_707 = arith.extui %lt3A_706 : i1 to i32
      %cond3A_708 = arith.constant 0 : i32
      %cond3A_709 = arith.cmpi ne, %convert_element_type3A_707, %cond3A_708 : i32
      scf.if %cond3A_709 {
        %add3A_710 = arith.constant 2 : i32
        %add3A_711 = arith.addi %add3A_570, %add3A_710 : i32
        %jit3A_712 = arith.constant 8 : i32
        %div3A_713 = arith.divsi %add3A_711, %jit3A_712 : i32
        %sign3A_714 = arith.constant 0 : i32
        %sign3A_715 = arith.cmpi sgt, %add3A_711, %sign3A_714 : i32
        %sign3A_716 = arith.extui %sign3A_715 : i1 to i32
        %sign3A_717 = arith.constant 0 : i32
        %sign3A_718 = arith.cmpi slt, %add3A_711, %sign3A_717 : i32
        %sign3A_719 = arith.extui %sign3A_718 : i1 to i32
        %sign3A_720 = arith.subi %sign3A_716, %sign3A_719 : i32
        %sign3A_721 = arith.constant 0 : i32
        %sign3A_722 = arith.cmpi sgt, %jit3A_712, %sign3A_721 : i32
        %sign3A_723 = arith.extui %sign3A_722 : i1 to i32
        %sign3A_724 = arith.constant 0 : i32
        %sign3A_725 = arith.cmpi slt, %jit3A_712, %sign3A_724 : i32
        %sign3A_726 = arith.extui %sign3A_725 : i1 to i32
        %sign3A_727 = arith.subi %sign3A_723, %sign3A_726 : i32
        %ne3A_728 = arith.cmpi ne, %sign3A_720, %sign3A_727 : i32
        %rem3A_729 = arith.remsi %add3A_711, %jit3A_712 : i32
        %ne3A_730 = arith.constant 0 : i32
        %ne3A_731 = arith.cmpi ne, %rem3A_729, %ne3A_730 : i32
        %and3A_732 = arith.andi %ne3A_728, %ne3A_731 : i1
        %sub3A_733 = arith.constant 1 : i32
        %sub3A_734 = arith.subi %div3A_713, %sub3A_733 : i32
        %select_n3A_735 = arith.select %and3A_732, %sub3A_734, %div3A_713 : i32
        %jit3A_736 = arith.constant 8 : i32
        %eq3A_737 = arith.constant 0 : i32
        %eq3A_738 = arith.cmpi eq, %jit3A_736, %eq3A_737 : i32
        %jit3A_739 = arith.constant 1 : i32
        %select_n3A_740 = arith.select %eq3A_738, %jit3A_739, %jit3A_736 : i32
        %rem3A_741 = arith.remsi %add3A_711, %select_n3A_740 : i32
        %ne3A_742 = arith.constant 0 : i32
        %ne3A_743 = arith.cmpi ne, %rem3A_741, %ne3A_742 : i32
        %lt3A_744 = arith.constant 0 : i32
        %lt3A_745 = arith.cmpi slt, %rem3A_741, %lt3A_744 : i32
        %lt3A_746 = arith.constant 0 : i32
        %lt3A_747 = arith.cmpi slt, %select_n3A_740, %lt3A_746 : i32
        %ne3A_748 = arith.xori %lt3A_745, %lt3A_747 : i1
        %and3A_749 = arith.andi %ne3A_748, %ne3A_743 : i1
        %add3A_750 = arith.addi %rem3A_741, %select_n3A_740 : i32
        %select_n3A_751 = arith.select %and3A_749, %add3A_750, %rem3A_741 : i32
        %mul3A_752 = arith.constant 128 : i32
        %mul3A_753 = arith.muli %select_n3A_751, %mul3A_752 : i32
        %sub3A_754 = arith.subi %select_n3A_735, %min3A_45 : i32
        %add3A_755 = arith.constant 0 : i32
        %add3A_756 = arith.addi %mul3A_753, %add3A_755 : i32
        %get3A_757 = arith.index_cast %sub3A_754 : i32 to index
        %get3A_758 = arith.index_cast %add3A_756 : i32 to index
        %get3A_759 = tpu.vector_load %arg6[%get3A_757, %get3A_758] {strides = array<i32>} : memref<16x1024xi32, #tpu.memory_space<vmem>>, vector<16xi32>,
        %swap3A_760 = arith.constant 1 : i32
        %swap3A_761 = arith.index_cast %swap3A_760 : i32 to index
        %swap3A_762 = arith.constant 0 : index
        %swap3A_763 = tpu.vector_load %arg8[%swap3A_761, %swap3A_762] {strides = array<i32>} : memref<2x128xi32, #tpu.memory_space<vmem>>, vector<16xi32>,
        tpu.vector_store %arg8[%swap3A_761, %swap3A_762], %get3A_759 {strides = array<i32>} : memref<2x128xi32, #tpu.memory_space<vmem>>, vector<16xi32>,
        %add3A_764 = arith.constant 16 : i32
        %add3A_765 = arith.addi %mul3A_753, %add3A_764 : i32
        %get3A_766 = arith.index_cast %sub3A_754 : i32 to index
        %get3A_767 = arith.index_cast %add3A_765 : i32 to index
        %get3A_768 = tpu.vector_load %arg6[%get3A_766, %get3A_767] {strides = array<i32>} : memref<16x1024xi32, #tpu.memory_space<vmem>>, vector<16xi32>,
        %swap3A_769 = arith.constant 1 : i32
        %swap3A_770 = arith.index_cast %swap3A_769 : i32 to index
        %swap3A_771 = arith.constant 16 : index
        %swap3A_772 = tpu.vector_load %arg8[%swap3A_770, %swap3A_771] {strides = array<i32>} : memref<2x128xi32, #tpu.memory_space<vmem>>, vector<16xi32>,
        tpu.vector_store %arg8[%swap3A_770, %swap3A_771], %get3A_768 {strides = array<i32>} : memref<2x128xi32, #tpu.memory_space<vmem>>, vector<16xi32>,
        %add3A_773 = arith.constant 32 : i32
        %add3A_774 = arith.addi %mul3A_753, %add3A_773 : i32
        %get3A_775 = arith.index_cast %sub3A_754 : i32 to index
        %get3A_776 = arith.index_cast %add3A_774 : i32 to index
        %get3A_777 = tpu.vector_load %arg6[%get3A_775, %get3A_776] {strides = array<i32>} : memref<16x1024xi32, #tpu.memory_space<vmem>>, vector<16xi32>,
        %swap3A_778 = arith.constant 1 : i32
        %swap3A_779 = arith.index_cast %swap3A_778 : i32 to index
        %swap3A_780 = arith.constant 32 : index
        %swap3A_781 = tpu.vector_load %arg8[%swap3A_779, %swap3A_780] {strides = array<i32>} : memref<2x128xi32, #tpu.memory_space<vmem>>, vector<16xi32>,
        tpu.vector_store %arg8[%swap3A_779, %swap3A_780], %get3A_777 {strides = array<i32>} : memref<2x128xi32, #tpu.memory_space<vmem>>, vector<16xi32>,
        %add3A_782 = arith.constant 48 : i32
        %add3A_783 = arith.addi %mul3A_753, %add3A_782 : i32
        %get3A_784 = arith.index_cast %sub3A_754 : i32 to index
        %get3A_785 = arith.index_cast %add3A_783 : i32 to index
        %get3A_786 = tpu.vector_load %arg6[%get3A_784, %get3A_785] {strides = array<i32>} : memref<16x1024xi32, #tpu.memory_space<vmem>>, vector<16xi32>,
        %swap3A_787 = arith.constant 1 : i32
        %swap3A_788 = arith.index_cast %swap3A_787 : i32 to index
        %swap3A_789 = arith.constant 48 : index
        %swap3A_790 = tpu.vector_load %arg8[%swap3A_788, %swap3A_789] {strides = array<i32>} : memref<2x128xi32, #tpu.memory_space<vmem>>, vector<16xi32>,
        tpu.vector_store %arg8[%swap3A_788, %swap3A_789], %get3A_786 {strides = array<i32>} : memref<2x128xi32, #tpu.memory_space<vmem>>, vector<16xi32>,
        %add3A_791 = arith.constant 64 : i32
        %add3A_792 = arith.addi %mul3A_753, %add3A_791 : i32
        %get3A_793 = arith.index_cast %sub3A_754 : i32 to index
        %get3A_794 = arith.index_cast %add3A_792 : i32 to index
        %get3A_795 = tpu.vector_load %arg6[%get3A_793, %get3A_794] {strides = array<i32>} : memref<16x1024xi32, #tpu.memory_space<vmem>>, vector<16xi32>,
        %swap3A_796 = arith.constant 1 : i32
        %swap3A_797 = arith.index_cast %swap3A_796 : i32 to index
        %swap3A_798 = arith.constant 64 : index
        %swap3A_799 = tpu.vector_load %arg8[%swap3A_797, %swap3A_798] {strides = array<i32>} : memref<2x128xi32, #tpu.memory_space<vmem>>, vector<16xi32>,
        tpu.vector_store %arg8[%swap3A_797, %swap3A_798], %get3A_795 {strides = array<i32>} : memref<2x128xi32, #tpu.memory_space<vmem>>, vector<16xi32>,
        %add3A_800 = arith.constant 80 : i32
        %add3A_801 = arith.addi %mul3A_753, %add3A_800 : i32
        %get3A_802 = arith.index_cast %sub3A_754 : i32 to index
        %get3A_803 = arith.index_cast %add3A_801 : i32 to index
        %get3A_804 = tpu.vector_load %arg6[%get3A_802, %get3A_803] {strides = array<i32>} : memref<16x1024xi32, #tpu.memory_space<vmem>>, vector<16xi32>,
        %swap3A_805 = arith.constant 1 : i32
        %swap3A_806 = arith.index_cast %swap3A_805 : i32 to index
        %swap3A_807 = arith.constant 80 : index
        %swap3A_808 = tpu.vector_load %arg8[%swap3A_806, %swap3A_807] {strides = array<i32>} : memref<2x128xi32, #tpu.memory_space<vmem>>, vector<16xi32>,
        tpu.vector_store %arg8[%swap3A_806, %swap3A_807], %get3A_804 {strides = array<i32>} : memref<2x128xi32, #tpu.memory_space<vmem>>, vector<16xi32>,
        %add3A_809 = arith.constant 96 : i32
        %add3A_810 = arith.addi %mul3A_753, %add3A_809 : i32
        %get3A_811 = arith.index_cast %sub3A_754 : i32 to index
        %get3A_812 = arith.index_cast %add3A_810 : i32 to index
        %get3A_813 = tpu.vector_load %arg6[%get3A_811, %get3A_812] {strides = array<i32>} : memref<16x1024xi32, #tpu.memory_space<vmem>>, vector<16xi32>,
        %swap3A_814 = arith.constant 1 : i32
        %swap3A_815 = arith.index_cast %swap3A_814 : i32 to index
        %swap3A_816 = arith.constant 96 : index
        %swap3A_817 = tpu.vector_load %arg8[%swap3A_815, %swap3A_816] {strides = array<i32>} : memref<2x128xi32, #tpu.memory_space<vmem>>, vector<16xi32>,
        tpu.vector_store %arg8[%swap3A_815, %swap3A_816], %get3A_813 {strides = array<i32>} : memref<2x128xi32, #tpu.memory_space<vmem>>, vector<16xi32>,
        %add3A_818 = arith.constant 112 : i32
        %add3A_819 = arith.addi %mul3A_753, %add3A_818 : i32
        %get3A_820 = arith.index_cast %sub3A_754 : i32 to index
        %get3A_821 = arith.index_cast %add3A_819 : i32 to index
        %get3A_822 = tpu.vector_load %arg6[%get3A_820, %get3A_821] {strides = array<i32>} : memref<16x1024xi32, #tpu.memory_space<vmem>>, vector<16xi32>,
        %swap3A_823 = arith.constant 1 : i32
        %swap3A_824 = arith.index_cast %swap3A_823 : i32 to index
        %swap3A_825 = arith.constant 112 : index
        %swap3A_826 = tpu.vector_load %arg8[%swap3A_824, %swap3A_825] {strides = array<i32>} : memref<2x128xi32, #tpu.memory_space<vmem>>, vector<16xi32>,
        tpu.vector_store %arg8[%swap3A_824, %swap3A_825], %get3A_822 {strides = array<i32>} : memref<2x128xi32, #tpu.memory_space<vmem>>, vector<16xi32>,
        %add3A_827 = arith.constant 2 : i32
        %add3A_828 = arith.addi %add3A_570, %add3A_827 : i32
        %dma_start3A_829 = arith.constant 1 : i32
        %dma_start3A_830 = arith.constant 1 : i32
        %dma_start3A_831 = arith.constant 0 : i32
        %dma_start3A_832 = arith.constant 0 : i32
        %dma_start3A_833 = tpu.memref_slice %arg9[%dma_start3A_830, %dma_start3A_831, %dma_start3A_832] : memref<2x128x128xf32, #tpu.memory_space<vmem>> -> memref<1x128x128xf32, #tpu.memory_space<vmem>>
        %dma_start3A_834 = tpu.memref_squeeze %dma_start3A_833 : memref<1x128x128xf32, #tpu.memory_space<vmem>> -> memref<128x128xf32, #tpu.memory_space<vmem>>
        %dma_start3A_835 = arith.constant 0 : i32
        %dma_start3A_836 = tpu.memref_slice %arg8[%dma_start3A_829, %dma_start3A_835] : memref<2x128xi32, #tpu.memory_space<vmem>> -> memref<1x128xi32, #tpu.memory_space<vmem>>
        %dma_start3A_837 = tpu.memref_squeeze %dma_start3A_836 : memref<1x128xi32, #tpu.memory_space<vmem>> -> memref<128xi32, #tpu.memory_space<vmem>>
        %dma_start3A_838 = arith.constant 0 : i32
        %dma_start3A_839 = arith.constant 0 : i32
        %dma_start3A_840 = tpu.memref_slice %arg2[%dma_start3A_838, %dma_start3A_839] : memref<1000000x128xf32, #tpu.memory_space<hbm>> -> memref<1000000x128xf32, #tpu.memory_space<hbm>>
        tpu.enqueue_indirect_dma source(%dma_start3A_840 : memref<1000000x128xf32, #tpu.memory_space<hbm>>) target(%dma_start3A_834 : memref<128x128xf32, #tpu.memory_space<vmem>>) offsets(%dma_start3A_837 : memref<128xi32, #tpu.memory_space<vmem>>) semaphore(%arg12 : memref<!tpu.dma_semaphore, #tpu.memory_space<semaphore_mem>>)
      } else {
      }
    }
    %scan3A_302 = arith.constant 25 : i32
    %add3A_303 = arith.constant 50 : i32
    %add3A_304 = arith.addi %mul3A_2, %add3A_303 : i32
    %sub3A_305 = arith.constant 2 : i32
    %sub3A_306 = arith.subi %add3A_304, %sub3A_305 : i32
    %jit3A_307 = arith.constant 8 : i32
    %div3A_308 = arith.divsi %sub3A_306, %jit3A_307 : i32
    %sign3A_309 = arith.constant 0 : i32
    %sign3A_310 = arith.cmpi sgt, %sub3A_306, %sign3A_309 : i32
    %sign3A_311 = arith.extui %sign3A_310 : i1 to i32
    %sign3A_312 = arith.constant 0 : i32
    %sign3A_313 = arith.cmpi slt, %sub3A_306, %sign3A_312 : i32
    %sign3A_314 = arith.extui %sign3A_313 : i1 to i32
    %sign3A_315 = arith.subi %sign3A_311, %sign3A_314 : i32
    %sign3A_316 = arith.constant 0 : i32
    %sign3A_317 = arith.cmpi sgt, %jit3A_307, %sign3A_316 : i32
    %sign3A_318 = arith.extui %sign3A_317 : i1 to i32
    %sign3A_319 = arith.constant 0 : i32
    %sign3A_320 = arith.cmpi slt, %jit3A_307, %sign3A_319 : i32
    %sign3A_321 = arith.extui %sign3A_320 : i1 to i32
    %sign3A_322 = arith.subi %sign3A_318, %sign3A_321 : i32
    %ne3A_323 = arith.cmpi ne, %sign3A_315, %sign3A_322 : i32
    %rem3A_324 = arith.remsi %sub3A_306, %jit3A_307 : i32
    %ne3A_325 = arith.constant 0 : i32
    %ne3A_326 = arith.cmpi ne, %rem3A_324, %ne3A_325 : i32
    %and3A_327 = arith.andi %ne3A_323, %ne3A_326 : i1
    %sub3A_328 = arith.constant 1 : i32
    %sub3A_329 = arith.subi %div3A_308, %sub3A_328 : i32
    %select_n3A_330 = arith.select %and3A_327, %sub3A_329, %div3A_308 : i32
    %jit3A_331 = arith.constant 8 : i32
    %eq3A_332 = arith.constant 0 : i32
    %eq3A_333 = arith.cmpi eq, %jit3A_331, %eq3A_332 : i32
    %jit3A_334 = arith.constant 1 : i32
    %select_n3A_335 = arith.select %eq3A_333, %jit3A_334, %jit3A_331 : i32
    %rem3A_336 = arith.remsi %sub3A_306, %select_n3A_335 : i32
    %ne3A_337 = arith.constant 0 : i32
    %ne3A_338 = arith.cmpi ne, %rem3A_336, %ne3A_337 : i32
    %lt3A_339 = arith.constant 0 : i32
    %lt3A_340 = arith.cmpi slt, %rem3A_336, %lt3A_339 : i32
    %lt3A_341 = arith.constant 0 : i32
    %lt3A_342 = arith.cmpi slt, %select_n3A_335, %lt3A_341 : i32
    %ne3A_343 = arith.xori %lt3A_340, %lt3A_342 : i1
    %and3A_344 = arith.andi %ne3A_343, %ne3A_338 : i1
    %add3A_345 = arith.addi %rem3A_336, %select_n3A_335 : i32
    %select_n3A_346 = arith.select %and3A_344, %add3A_345, %rem3A_336 : i32
    %mul3A_347 = arith.constant 128 : i32
    %mul3A_348 = arith.muli %select_n3A_346, %mul3A_347 : i32
    %dma_wait3A = arith.constant 0 : i32
    %dma_wait3A_349 = arith.constant 0 : i32
    %dma_wait3A_350 = arith.constant 0 : i32
    %dma_wait3A_351 = tpu.memref_slice %arg10[%dma_wait3A, %dma_wait3A_349, %dma_wait3A_350] : memref<2x64x128xf32, #tpu.memory_space<vmem>> -> memref<1x64x128xf32, #tpu.memory_space<vmem>>
    %dma_wait3A_352 = tpu.memref_squeeze %dma_wait3A_351 : memref<1x64x128xf32, #tpu.memory_space<vmem>> -> memref<64x128xf32, #tpu.memory_space<vmem>>
    %dma_wait3A_353 = arith.constant 0 : i32
    %dma_wait3A_354 = tpu.memref_slice %arg5[%select_n3A_330, %dma_wait3A_353, %mul3A_348] : memref<200x64x1024xf32, #tpu.memory_space<hbm>> -> memref<1x64x128xf32, #tpu.memory_space<hbm>>
    %dma_wait3A_355 = tpu.memref_squeeze %dma_wait3A_354 : memref<1x64x128xf32, #tpu.memory_space<hbm>> -> memref<64x128xf32, #tpu.memory_space<hbm>>
    %dma_wait3A_356 = arith.constant 0 : i32
    %dma_wait3A_357 = tpu.memref_slice %arg5[%select_n3A_330, %dma_wait3A_356, %mul3A_348] : memref<200x64x1024xf32, #tpu.memory_space<hbm>> -> memref<1x64x128xf32, #tpu.memory_space<hbm>>
    %dma_wait3A_358 = tpu.memref_squeeze %dma_wait3A_357 : memref<1x64x128xf32, #tpu.memory_space<hbm>> -> memref<64x128xf32, #tpu.memory_space<hbm>>
    %dma_wait3A_359 = arith.constant 0 : i32
    %dma_wait3A_360 = arith.constant 0 : i32
    %dma_wait3A_361 = tpu.memref_slice %arg10[%dma_wait3A, %dma_wait3A_359, %dma_wait3A_360] : memref<2x64x128xf32, #tpu.memory_space<vmem>> -> memref<1x64x128xf32, #tpu.memory_space<vmem>>
    %dma_wait3A_362 = tpu.memref_squeeze %dma_wait3A_361 : memref<1x64x128xf32, #tpu.memory_space<vmem>> -> memref<64x128xf32, #tpu.memory_space<vmem>>
    tpu.wait_dma2 semaphore(%arg13 : memref<!tpu.dma_semaphore, #tpu.memory_space<semaphore_mem>>) src(%dma_wait3A_362 : memref<64x128xf32, #tpu.memory_space<vmem>>) dst(%dma_wait3A_358 : memref<64x128xf32, #tpu.memory_space<hbm>>)
    %add3A_363 = arith.constant 50 : i32
    %add3A_364 = arith.addi %mul3A_2, %add3A_363 : i32
    %sub3A_365 = arith.constant 1 : i32
    %sub3A_366 = arith.subi %add3A_364, %sub3A_365 : i32
    %jit3A_367 = arith.constant 8 : i32
    %div3A_368 = arith.divsi %sub3A_366, %jit3A_367 : i32
    %sign3A_369 = arith.constant 0 : i32
    %sign3A_370 = arith.cmpi sgt, %sub3A_366, %sign3A_369 : i32
    %sign3A_371 = arith.extui %sign3A_370 : i1 to i32
    %sign3A_372 = arith.constant 0 : i32
    %sign3A_373 = arith.cmpi slt, %sub3A_366, %sign3A_372 : i32
    %sign3A_374 = arith.extui %sign3A_373 : i1 to i32
    %sign3A_375 = arith.subi %sign3A_371, %sign3A_374 : i32
    %sign3A_376 = arith.constant 0 : i32
    %sign3A_377 = arith.cmpi sgt, %jit3A_367, %sign3A_376 : i32
    %sign3A_378 = arith.extui %sign3A_377 : i1 to i32
    %sign3A_379 = arith.constant 0 : i32
    %sign3A_380 = arith.cmpi slt, %jit3A_367, %sign3A_379 : i32
    %sign3A_381 = arith.extui %sign3A_380 : i1 to i32
    %sign3A_382 = arith.subi %sign3A_378, %sign3A_381 : i32
    %ne3A_383 = arith.cmpi ne, %sign3A_375, %sign3A_382 : i32
    %rem3A_384 = arith.remsi %sub3A_366, %jit3A_367 : i32
    %ne3A_385 = arith.constant 0 : i32
    %ne3A_386 = arith.cmpi ne, %rem3A_384, %ne3A_385 : i32
    %and3A_387 = arith.andi %ne3A_383, %ne3A_386 : i1
    %sub3A_388 = arith.constant 1 : i32
    %sub3A_389 = arith.subi %div3A_368, %sub3A_388 : i32
    %select_n3A_390 = arith.select %and3A_387, %sub3A_389, %div3A_368 : i32
    %jit3A_391 = arith.constant 8 : i32
    %eq3A_392 = arith.constant 0 : i32
    %eq3A_393 = arith.cmpi eq, %jit3A_391, %eq3A_392 : i32
    %jit3A_394 = arith.constant 1 : i32
    %select_n3A_395 = arith.select %eq3A_393, %jit3A_394, %jit3A_391 : i32
    %rem3A_396 = arith.remsi %sub3A_366, %select_n3A_395 : i32
    %ne3A_397 = arith.constant 0 : i32
    %ne3A_398 = arith.cmpi ne, %rem3A_396, %ne3A_397 : i32
    %lt3A_399 = arith.constant 0 : i32
    %lt3A_400 = arith.cmpi slt, %rem3A_396, %lt3A_399 : i32
    %lt3A_401 = arith.constant 0 : i32
    %lt3A_402 = arith.cmpi slt, %select_n3A_395, %lt3A_401 : i32
    %ne3A_403 = arith.xori %lt3A_400, %lt3A_402 : i1
    %and3A_404 = arith.andi %ne3A_403, %ne3A_398 : i1
    %add3A_405 = arith.addi %rem3A_396, %select_n3A_395 : i32
    %select_n3A_406 = arith.select %and3A_404, %add3A_405, %rem3A_396 : i32
    %mul3A_407 = arith.constant 128 : i32
    %mul3A_408 = arith.muli %select_n3A_406, %mul3A_407 : i32
    %dma_wait3A_409 = arith.constant 1 : i32
    %dma_wait3A_410 = arith.constant 0 : i32
    %dma_wait3A_411 = arith.constant 0 : i32
    %dma_wait3A_412 = tpu.memref_slice %arg10[%dma_wait3A_409, %dma_wait3A_410, %dma_wait3A_411] : memref<2x64x128xf32, #tpu.memory_space<vmem>> -> memref<1x64x128xf32, #tpu.memory_space<vmem>>
    %dma_wait3A_413 = tpu.memref_squeeze %dma_wait3A_412 : memref<1x64x128xf32, #tpu.memory_space<vmem>> -> memref<64x128xf32, #tpu.memory_space<vmem>>
    %dma_wait3A_414 = arith.constant 0 : i32
    %dma_wait3A_415 = tpu.memref_slice %arg5[%select_n3A_390, %dma_wait3A_414, %mul3A_408] : memref<200x64x1024xf32, #tpu.memory_space<hbm>> -> memref<1x64x128xf32, #tpu.memory_space<hbm>>
    %dma_wait3A_416 = tpu.memref_squeeze %dma_wait3A_415 : memref<1x64x128xf32, #tpu.memory_space<hbm>> -> memref<64x128xf32, #tpu.memory_space<hbm>>
    %dma_wait3A_417 = arith.constant 0 : i32
    %dma_wait3A_418 = tpu.memref_slice %arg5[%select_n3A_390, %dma_wait3A_417, %mul3A_408] : memref<200x64x1024xf32, #tpu.memory_space<hbm>> -> memref<1x64x128xf32, #tpu.memory_space<hbm>>
    %dma_wait3A_419 = tpu.memref_squeeze %dma_wait3A_418 : memref<1x64x128xf32, #tpu.memory_space<hbm>> -> memref<64x128xf32, #tpu.memory_space<hbm>>
    %dma_wait3A_420 = arith.constant 0 : i32
    %dma_wait3A_421 = arith.constant 0 : i32
    %dma_wait3A_422 = tpu.memref_slice %arg10[%dma_wait3A_409, %dma_wait3A_420, %dma_wait3A_421] : memref<2x64x128xf32, #tpu.memory_space<vmem>> -> memref<1x64x128xf32, #tpu.memory_space<vmem>>
    %dma_wait3A_423 = tpu.memref_squeeze %dma_wait3A_422 : memref<1x64x128xf32, #tpu.memory_space<vmem>> -> memref<64x128xf32, #tpu.memory_space<vmem>>
    tpu.wait_dma2 semaphore(%arg14 : memref<!tpu.dma_semaphore, #tpu.memory_space<semaphore_mem>>) src(%dma_wait3A_423 : memref<64x128xf32, #tpu.memory_space<vmem>>) dst(%dma_wait3A_419 : memref<64x128xf32, #tpu.memory_space<hbm>>)
    return
  }
}

</mosaic_0001>

<sc_bundles>
// kernel: kernel.3.cloned.1.call-start
scs
__scs_entry_jumppad:
0x0: {  	(pc) =	sbr.rel $0x88, $3  }
0x1: {  	(tag) =	ssettag $0x0;
	lr =	simm.s32 $0x1  }
0x2: {  	[smem:$0x3F9E] =	sst lr;
	_ =	strace $0xD0000000  }
0x3: {  	_ = 	snop  }
0x4: {  	_ = 	snop  }
0x5: {  	_ = 	snop  }
0x6: {  	_ = 	snop  }
0x7: {  	_ = 	snop  }
__scs_overlays_trampoline_lowered:
0x8: {  	[smem:$0x3FAD] =	sst s0  }
0x9: {  	[smem:$0x3FAE] =	sst s1  }
0xa: {  	[smem:$0x3FAF] =	sst s2  }
0xb: {  	[smem:$0x3FB0] =	sst s3  }
0xc: {  	[smem:$0x3FB1] =	sst s4  }
0xd: {  	[smem:$0x3FB2] =	sst s5  }
0xe: {  	[smem:$0x3FB3] =	sst s6  }
0xf: {  	[smem:$0x3FB4] =	sst s7  }
0x10: {  	[smem:$0x3FB5] =	sst s8  }
0x11: {  	[smem:$0x3FB6] =	sst s9;
	s0 =	simm.s32 @!p0 $0x0  }
0x12: {  	s1 =	sld [smem:$0x3F9C];
	s0 =	simm.s32 @p0 $0x1  }
0x13: {  	[smem:$0x3FB7] =	sst s0;
	s0 =	simm.s32 @!p1 $0x0  }
0x14: {  	s2 =	sld [smem:$0x3F9B];
	s0 =	simm.s32 @p1 $0x1  }
0x15: {  	[smem:$0x3FB8] =	sst s0;
	s0 =	simm.s32 @!p2 $0x0  }
0x16: {  	s3 =	sld [smem:$0x3FDB];
	s0 =	simm.s32 @p2 $0x1  }
0x17: {  	s4 =	simm.s32 $0x1BF5;
	[smem:$0x3FBA] =	sst s0  }
0x18: {  	s0 =	sld [smem:$0x3F9D];
	_ =	swait.ge [sflag:s4], $0x0  }
0x19: {  	s7 =	sld [smem:$0x3F9E]  }
0x1a: {  	s8 =	sadd.s32 $0xFFFFE003, lr  }
0x1b: {  	s9 =	sadd.s32 $0xFFFFFEF7, lr;
	s5 =	simm.s32 $0xFFFFFFFF;
	p2 =	slt.u32 s8, $0xFFFFF086  }
0x1c: {  	p1 =	slt.u32 s9, $0xF7A;
	s5 =	simm.s32 @!p2 $0x0  }
0x1d: {  	s5 =	simm.s32 @p1 $0x1;
	p0 =	seq.s32 s7, s2  }
0x1e: {  	s7 =	smul.u32 @!p0 $0xF7A, s2;
	p2 =	seq.s32 @!p0 s5, $0x0  }
0x1f: {  	s9 =	smul.u32 $0xF7A, s1;
	s8 =	simm.s32 @!p0 $0x1BF5;
	p2 =	por !p2, p0  }
0x20: {  	[sflag:s8] =	ssyncset.s32 @!p0 $0xFFFFF086;
	s6 =	sadd.s32 @!p0 s3, s7;
	s7 =	simm.s32 @!p0 $0x108  }
0x21: {  	s3 =	sadd.s32 s3, s9;
	s6 =	sadd.s32 @!p0 $0x88, s6;
	s7 =	simm.s32 @p2 $0x1082  }
0x22: {  	[simem:s7], [sflag:s8] =	dma.local @!p0 [hbm:s6], $0xF7A  }
0x23: {  	s9 =	sor.u32 $0xD0000000, s2;
	s6 =	simm.s32 $0x108;
	_ =	swait.ge @!p0 [sflag:s8], $0x0  }
0x24: {  	s3 =	sadd.s32 $0x88, s3;
	s6 =	simm.s32 @!p1 $0x1082;
	[sflag:s4] =	ssyncset.s32 $0xFFFFF086  }
0x25: {  	[simem:s6], [sflag:s4] =	dma.local [hbm:s3], $0xF7A  }
0x26: {  	[smem:$0x3F9E] =	sst s1;
	(tag) =	ssettag s2;
	_ =	strace s9  }
0x27: {  	s1 =	sld [smem:$0x3FAE]  }
0x28: {  	s2 =	sld [smem:$0x3FAF]  }
0x29: {  	s4 =	sld [smem:$0x3FB1]  }
0x2a: {  	p0 =	seq.s32 s5, $0x0;
	s5 =	sld [smem:$0x3FB2]  }
0x2b: {  	s6 =	sld [smem:$0x3FB3]  }
0x2c: {  	s7 =	sld [smem:$0x3FB4]  }
0x2d: {  	s3 =	simm.s32 $0x108;
	s8 =	sld [smem:$0x3FB5]  }
0x2e: {  	s3 =	simm.s32 @!p0 $0x1082;
	s9 =	sld [smem:$0x3FB6]  }
0x2f: {  	lr =	sadd.s32 s0, s3;
	s0 =	sld [smem:$0x3FAD]  }
0x30: {  	s3 =	sld [smem:$0x3FB0]  }
0x31: {  	[smem:$0x3FB9] =	sst s10  }
0x32: {  	s10 =	sld [smem:$0x3FB7];
	_ =	sdelay $0x3  }
0x33: {  	p0 =	seq.s32 s10, $0x1;
	s10 =	sld [smem:$0x3FB9];
	_ =	sdelay $0x3  }
0x34: {  	[smem:$0x3FB9] =	sst s10  }
0x35: {  	s10 =	sld [smem:$0x3FB8];
	_ =	sdelay $0x3  }
0x36: {  	p1 =	seq.s32 s10, $0x1;
	s10 =	sld [smem:$0x3FB9];
	_ =	sdelay $0x3  }
0x37: {  	[smem:$0x3FB9] =	sst s10  }
0x38: {  	s10 =	sld [smem:$0x3FBA]  }
0x39: {  	_ = 	snop;
	(pc) =	sbr.ind lr, $3  }
0x3a: {  	_ = 	snop  }
0x3b: {  	_ = 	snop  }
0x3c: {  	p2 =	seq.s32 s10, $0x1;
	s10 =	sld [smem:$0x3FB9]  }
0x3d: {  	_ =	shalt  }
0x3e: {  	_ =	shalt  }
0x3f: {  	_ =	shalt  }
0x40: {  	_ =	shalt  }
0x41: {  	_ =	shalt  }
0x42: {  	_ =	shalt  }
0x43: {  	_ =	shalt  }
0x44: {  	_ =	shalt  }
0x45: {  	_ =	shalt  }
0x46: {  	_ =	shalt  }
0x47: {  	_ =	shalt  }
0x48: {  	_ =	shalt  }
0x49: {  	_ =	shalt  }
0x4a: {  	_ =	shalt  }
0x4b: {  	_ =	shalt  }
0x4c: {  	_ =	shalt  }
0x4d: {  	_ =	shalt  }
0x4e: {  	_ =	shalt  }
0x4f: {  	_ =	shalt  }
0x50: {  	_ =	shalt  }
0x51: {  	_ =	shalt  }
0x52: {  	_ =	shalt  }
0x53: {  	_ =	shalt  }
0x54: {  	_ =	shalt  }
0x55: {  	_ =	shalt  }
0x56: {  	_ =	shalt  }
0x57: {  	_ =	shalt  }
0x58: {  	_ =	shalt  }
0x59: {  	_ =	shalt  }
0x5a: {  	_ =	shalt  }
0x5b: {  	_ =	shalt  }
0x5c: {  	_ =	shalt  }
0x5d: {  	_ =	shalt  }
0x5e: {  	_ =	shalt  }
0x5f: {  	_ =	shalt  }
0x60: {  	_ =	shalt  }
0x61: {  	_ =	shalt  }
0x62: {  	_ =	shalt  }
0x63: {  	_ =	shalt  }
0x64: {  	_ =	shalt  }
0x65: {  	_ =	shalt  }
0x66: {  	_ =	shalt  }
0x67: {  	_ =	shalt  }
0x68: {  	_ =	shalt  }
0x69: {  	_ =	shalt  }
0x6a: {  	_ =	shalt  }
0x6b: {  	_ =	shalt  }
0x6c: {  	_ =	shalt  }
0x6d: {  	_ =	shalt  }
0x6e: {  	_ =	shalt  }
0x6f: {  	_ =	shalt  }
0x70: {  	_ =	shalt  }
0x71: {  	_ =	shalt  }
0x72: {  	_ =	shalt  }
0x73: {  	_ =	shalt  }
0x74: {  	_ =	shalt  }
0x75: {  	_ =	shalt  }
0x76: {  	_ =	shalt  }
0x77: {  	_ =	shalt  }
0x78: {  	_ =	shalt  }
0x79: {  	_ =	shalt  }
0x7a: {  	_ =	shalt  }
0x7b: {  	_ =	shalt  }
0x7c: {  	_ =	shalt  }
0x7d: {  	_ =	shalt  }
0x7e: {  	_ =	shalt  }
0x7f: {  	_ =	shalt  }
0x80: {  	_ =	shalt  }
0x81: {  	_ =	shalt  }
0x82: {  	_ =	shalt  }
0x83: {  	_ =	shalt  }
0x84: {  	_ =	shalt  }
0x85: {  	_ =	shalt  }
0x86: {  	_ =	shalt  }
0x87: {  	_ =	shalt  }
.Lfunc_end0:
.L_simem_size_0:
called_computation_lowered:
.L_overlay_start_0:
0x88: {  	s2 =	sld [smem:$0x3FD9]  }
0x89: {  	s3 =	sld [smem:$0x3FFE];
	_ =	sdelay $0x1  }
0x8a: {  	s1 =	srdreg.scid  }
0x8b: {  	s0 =	sand.u32 $0x1, s1  }
0x8c: {  	s17 =	sshll.u32 s0, $0xA;
	s2 =	sadd.s32 s3, s2  }
0x8d: {  	s2 =	sadd.s32 s2, s17  }
0x8e: {  	[smem:$0x3FC5] =	sst s2  }
0x8f: {  	_ = 	snop  }
0x90: {  	s2 =	sld [smem:$0x3FC9]  }
0x91: {  	s18 =	sld [smem:$0x3FD0];
	(tm) =	ssettm $0x1  }
0x92: {  	s4 =	sld [smem:$0x3FFB];
	_ =	sdelay $0x3  }
0x93: {  	_ =	strace s4  }
0x94: {  	s4 =	sld [smem:$0x3FFC];
	_ =	sdelay $0x3  }
0x95: {  	_ =	strace s4  }
0x96: {  	s4 =	sld [smem:$0x3FFD];
	_ =	sdelay $0x3  }
0x97: {  	_ =	strace s4  }
0x98: {  	_ =	strace $0x8FFFFFFF  }
0x99: {  	s19 =	sld [smem:$0x3FDB];
	_ =	sdelay $0x1  }
0x9a: {  	s5 =	simm.s32 $_scs_section_size  }
0x9b: {  	s6 =	simm.s32 $_size__tile_overlayer_lowered;
	s7 =	simm.s32 $_tile_overlayer_lowered  }
0x9c: {  	s22 =	simm.s32 $0x1BFF;
	s21 =	sshll.u32 s7, $0x1;
	s4 =	sadd.s32 s5, s19  }
0x9d: {  	s8 =	simm.s32 $0x0;
	s20 =	sshll.u32 s6, $0x1;
	s6 =	sadd.s32 s21, s4  }
0x9e: {  	[timem:s8], [sflag:s22] =	dma.local [hbm:s6], s20  }
0x9f: {  	_ =	swait.ge [sflag:s22], s20  }
0xa0: {  	s5 =	ssub.s32 $0x0, s20;
	[sflag:s22] =	ssyncset.done $0x0  }
0xa1: {  	[sflag:s22] =	ssyncadd.s32 s5;
	_ =	sdelay $0x1  }
0xa2: {  	s23 =	simm.s32 $0x1B8B  }
0xa3: {  	_ =	swait.ge [sflag:s23], $0x1  }
0xa4: {  	[sflag:s23] =	ssyncset.done $0x0  }
0xa5: {  	s25 =	simm.s32 $0x1B8E;
	s24 =	sld [smem:$0x3FFE];
	[sflag:s23] =	ssyncadd.s32 $0xFFFFFFFF  }
0xa6: {  	s26 =	simm.s32 $execute0_lowered;
	[smem:$0x3FD2] =	sst s25  }
0xa7: {  	s6 =	sshll.u32 s26, $0x1;
	_ =	strace $0x80000046;
	[dreg:$0x1] =	wrdreg $0xFFFFFFFF  }
0xa8: {  	s28 =	simm.s32 $_size_execute0_lowered;
	s4 =	sadd.s32 s4, s6;
	[dreg:$0x0] =	wrdreg $0x0  }
0xa9: {  	s6 =	sshll.u32 s28, $0x1;
	[dreg:$0x2] =	wrdreg s4  }
0xaa: {  	[dreg:$0x3] =	wrdreg s6  }
0xab: {  	[dreg:$0x4] =	wrdreg $0xC0  }
0xac: {  	_ =	task [dreg:s8], $0x5FFFF  }
0xad: {  	[dreg:$0x1] =	wrdreg $0xFFFFFFFF  }
0xae: {  	[dreg:$0x0] =	wrdreg $0x60  }
0xaf: {  	[dreg:$0x2] =	wrdreg s24  }
0xb0: {  	[dreg:$0x3] =	wrdreg s2  }
0xb1: {  	[dreg:$0x4] =	wrdreg s18  }
0xb2: {  	[dreg:$0x5] =	wrdreg $0x9  }
0xb3: {  	_ =	task.clear_ibuf [dreg:s8], $0x6FFFF;
	_ =	strace $0x90000046  }
0xb4: {  	s29 =	simm.s32 $0x9;
	_ =	strace $0x80000048  }
0xb5: {  	_ =	swait.ge [sflag:s29], $0x1  }
0xb6: {  	[sflag:s29] =	ssyncadd.s32 $0xFFFFFFFF  }
0xb7: {  	_ =	strace $0x90000048  }
0xb8: {  	_ =	sfence  }
0xb9: {  	s30 =	sld [smem:$0x0];
	_ =	sdelay $0x2  }
0xba: {  	s31 =	sshll.u32 s1, $0xD;
	s1 =	sshrl.u32 s1, $0x2  }
0xbb: {  	s3 =	sand.u32 $0x4000, s31;
	s1 =	sadd.s32 s1, s30  }
0xbc: {  	s0 =	sor.u32 s3, s0;
	s1 =	sshll.u32 s1, $0x11  }
0xbd: {  	s0 =	sor.u32 s1, s0  }
0xbe: {  	s0 =	sadd.s32 $0x8F2B, s0  }
0xbf: {  	[sflag:s0] =	ssyncadd.remote.s32 $0x1  }
0xc0: {  	_ =	sfence.sel $0xFFFF  }
0xc1: {  	[dreg:$0x0] =	wrdreg $0xFFFFFFFF;
	(pc) =	sbr.abs _section_cstart, $3  }
0xc2: {  	[dreg:$0x1] =	wrdreg $0xFFFFFFFF  }
0xc3: {  	_ =	task.clear_ibuf [dreg:s8], $0x2FFFF;
	_ =	strace $0x9FFFFFFF  }
0xc4: {  	(tm) =	ssettm $0x7FFFFFFF  }
0xc5: {  	_ =	shalt  }
tec
execute0_lowered:
.L_overlay_start_1:
0x0: {  	(tag) =	ssettag $0x1  }
0x1: {  	s0 =	srdreg.scid;
	s1 =	stileid.u32  }
0x2: {  	s0 =	sand.u32 $0x1, s0;
	s1 =	sshll.u32 s1, $0x1  }
0x3: {  	s7 =	rddreg [dreg:$0x0];
	s2 =	sor.u32 s0, s1  }
0x4: {  	s4 =	simm.s32 $0x1;
	s10 =	rddreg [dreg:$0x1];
	s1 =	smul.u32 $0x32, s2  }
0x5: {  	s29 =	simm.s32 $0x0;
	s13 =	simm.s32 $0x5;
	s15 =	simm.s32 $0x80  }
0x6: {  	s18 =	simm.s32 $0xA480;
	s8 =	sshrl.u32 s1, $0x3;
	s3 =	sand.u32 $0x38, s1  }
0x7: {  	s19 =	simm.s32 $0xE500;
	p0 =	seq.s32 s8, $0x0;
	p1 =	sne.s32 s3, $0x0  }
0x8: {  	s20 =	simm.s32 $0x12500;
	s21 =	simm.s32 $0x400;
	p0 =	por !p0, !p1  }
0x9: {  	s22 =	simm.s32 $0x2000;
	s23 =	simm.s32 $0x2;
	p0 =	por !p0, !p0  }
0xa: {  	s24 =	simm.s32 $0x14500;
	s5 =	sshrl.u32 s1, $0x6;
	s4 =	simm.s32 @!p0 $0x0  }
0xb: {  	s25 =	simm.s32 $0x3;
	s26 =	simm.s32 $0x4;
	s5 =	ssub.s32 s5, s4  }
0xc: {  	s28 =	simm.s32 $0x0;
	s6 =	sadd.s32 $0xF43800, s7;
	s5 =	sshll.u32 s5, $0x3  }
0xd: {  	[smem:$0x7FF] =	sst s29;
	s7 =	sadd.s32 $0xF42A00, s7;
	p0 =	slt.s32 s5, $0xB8  }
0xe: {  	s0 =	ssub.s32 $0x2, s0;
	s2 =	sshll.u32 s2, $0xB;
	s5 =	simm.s32 @!p0 $0xB8  }
0xf: {  	s9 =	sshrl.u32 s0, $0x1;
	s2 =	sand.u32 $0x1800, s2;
	s8 =	ssub.s32 s8, s5  }
.Ltmp0:
0x10: {  	s0 =	ssub.s32 s0, s9;
	s8 =	sshll.u32 s8, $0xA;
	(pc) =	sbr.rel .LBB2_1-.Ltmp0, $4  }
0x11: {  	v0 =	vlaneseq.u32;
	s11 =	sshll.u32 s1, $0x4;
	s12 =	smax.u32 s0, $0x1;
	s8 =	sand.u32 $0xFFFFE000, s8  }
0x12: {  	v0 =	vmul.u32 $0x80, v0;
	s3 =	rddreg [dreg:$0x2];
	s30 =	sand.u32 $0x380, s11;
	s2 =	sor.u32 s2, s8  }
0x13: {  	_ =	strace $0x80000047;
	s31 =	sshll.u32 s5, $0x7;
	s9 =	sor.u32 s30, s2  }
0x14: {  	v1 =	vor.u32 $0x800, v0;
	v2 =	vor.u32 $0x1000, v0;
	v3 =	vor.u32 $0x1800, v0;
	s10 =	sadd.s32 s10, s31;
	s8 =	simm.s32 $0x1;
	s11 =	sor.u32 $0x400, s9  }
.LBB2_8:
0x15: {  	s28 =	sadd.s32 $0x1, s28  }
0x16: {  	_ =	swait.ge [sflag:s25], $0x2000;
	p0 =	sne.s32 s28, s12  }
.Ltmp1:
0x17: {  	[sflag:s25] =	ssyncset.done $0x0;
	(pc) =	sbr.rel @!p0 .LBB2_9-.Ltmp1, $4  }
0x18: {  	[sflag:s25] =	ssyncadd.s32 $0xFFFFE000  }
0x19: {  	_ =	swait.ge [sflag:s26], $0x2000  }
0x1a: {  	[sflag:s26] =	ssyncset.done $0x0  }
0x1b: {  	[sflag:s26] =	ssyncadd.s32 $0xFFFFE000  }
.LBB2_1:
0x1c: {  	s0 =	simm.s32 $0x0  }
0x1d: {  	[tilespmem:s0], [sflag:$0x5] =	stream.linear.gather [hbm4b:s10+s0], $0x4000, $0x38;
	[tilespmem:$0x16500] =	vst v63  }
0x1e: {  	_ =	swait.ge [sflag:s13], $0x4000  }
0x1f: {  	[sflag:s13] =	ssyncset.done $0x0  }
0x20: {  	s2 =	simm.s32 $0x4000;
	[sflag:s13] =	ssyncadd.s32 $0xFFFFC000  }
0x21: {  	[tilespmem:s2], [sflag:$0x5] =	stream.linear.gather [hbm4b:s7+s0], $0x6400, $0x38;
	[tilespmem:$0x16500] =	vst v63  }
0x22: {  	_ =	swait.ge [sflag:s13], $0x6400  }
0x23: {  	[sflag:s13] =	ssyncset.done $0x0  }
0x24: {  	[sflag:s13] =	ssyncadd.s32 $0xFFFF9C00  }
0x25: {  	v4 =	vld [tilespmem:s9+$0x0];
	_ =	sdelay $0x4  }
0x26: {  	[tilespmem:$0xA400] =	vst v4  }
0x27: {  	v4 =	vld [tilespmem:s9+$0x10];
	_ =	sdelay $0x4  }
0x28: {  	[tilespmem:$0xA410] =	vst v4  }
0x29: {  	v4 =	vld [tilespmem:s9+$0x20];
	_ =	sdelay $0x4  }
0x2a: {  	[tilespmem:$0xA420] =	vst v4  }
0x2b: {  	v4 =	vld [tilespmem:s9+$0x30];
	_ =	sdelay $0x4  }
0x2c: {  	[tilespmem:$0xA430] =	vst v4  }
0x2d: {  	v4 =	vld [tilespmem:s9+$0x40];
	_ =	sdelay $0x4  }
0x2e: {  	[tilespmem:$0xA440] =	vst v4  }
0x2f: {  	v4 =	vld [tilespmem:s9+$0x50];
	_ =	sdelay $0x4  }
0x30: {  	[tilespmem:$0xA450] =	vst v4  }
0x31: {  	v4 =	vld [tilespmem:s9+$0x60];
	_ =	sdelay $0x4  }
0x32: {  	[tilespmem:$0xA460] =	vst v4  }
0x33: {  	v4 =	vld [tilespmem:s9+$0x70];
	_ =	sdelay $0x4  }
0x34: {  	s30 =	simm.s32 $0xA400;
	s31 =	simm.s32 $0xA500;
	[tilespmem:$0xA470] =	vst v4  }
0x35: {  	[tilespmem:s31], [sflag:$0x1] =	stream.indirect.gather [hbm4b:s6+s15], $0x80, s30, s15, $0xb8;
	[tilespmem:$0x16500] =	vst v63  }
0x36: {  	v4 =	vld [tilespmem:s11+$0x0];
	_ =	sdelay $0x4  }
0x37: {  	[tilespmem:$0xA480] =	vst v4  }
0x38: {  	v4 =	vld [tilespmem:s11+$0x10];
	_ =	sdelay $0x4  }
0x39: {  	[tilespmem:$0xA490] =	vst v4  }
0x3a: {  	v4 =	vld [tilespmem:s11+$0x20];
	_ =	sdelay $0x4  }
0x3b: {  	[tilespmem:$0xA4A0] =	vst v4  }
0x3c: {  	v4 =	vld [tilespmem:s11+$0x30];
	_ =	sdelay $0x4  }
0x3d: {  	[tilespmem:$0xA4B0] =	vst v4  }
0x3e: {  	v4 =	vld [tilespmem:s11+$0x40];
	_ =	sdelay $0x4  }
0x3f: {  	[tilespmem:$0xA4C0] =	vst v4  }
0x40: {  	v4 =	vld [tilespmem:s11+$0x50];
	_ =	sdelay $0x4  }
0x41: {  	[tilespmem:$0xA4D0] =	vst v4  }
0x42: {  	v4 =	vld [tilespmem:s11+$0x60];
	_ =	sdelay $0x4  }
0x43: {  	[tilespmem:$0xA4E0] =	vst v4  }
0x44: {  	v4 =	vld [tilespmem:s11+$0x70];
	_ =	sdelay $0x4  }
0x45: {  	s29 =	simm.s32 $0x0;
	[tilespmem:$0xA4F0] =	vst v4  }
0x46: {  	[tilespmem:s19], [sflag:$0x2] =	stream.indirect.gather [hbm4b:s6+s15], $0x80, s18, s15, $0xb8;
	[tilespmem:$0x16500] =	vst v63  }
.LBB2_2:
0x47: {  	_ =	swait.ge [sflag:s8], $0x4000  }
0x48: {  	s30 =	sshll.u32 s29, $0x1;
	p0 =	seq.s32 s29, $0x0;
	[sflag:s8] =	ssyncset.done $0x0  }
0x49: {  	s31 =	sadd.s32 s1, s30;
	s0 =	simm.s32 @!p0 $0x3;
	[sflag:s8] =	ssyncadd.s32 $0xFFFFC000  }
0x4a: {  	s2 =	sshrl.u32 s31, $0x3;
	_ =	swait.ge @!p0 [sflag:s0], $0x2000  }
0x4b: {  	s16 =	simm.s32 $0x0;
	s14 =	sshll.u32 s2, $0x7;
	[sflag:s0] =	ssyncset.done @!p0 $0x0  }
0x4c: {  	v4 =	vmov s16;
	s14 =	sand.u32 $0x3FFFFF80, s14;
	[sflag:s0] =	ssyncadd.s32 @!p0 $0xFFFFE000  }
0x4d: {  	v4 =	vand.u32 $0x7C, v4;
	s0 =	simm.s32 $0xA600;
	v6 =	vld [tilespmem:s14+$0x4000]  }
0x4e: {  	v9 =	vbroadcast v4, $0x0;
	v8 =	vld [tilespmem:s0+$0xFFFFFF00];
	_ =	sdelay $0x1  }
0x4f: {  	v10 =	vor.u32 v0, v9;
	_ =	sdelay $0x2  }
0x50: {  	v7 =	vld [tilespmem:s14+$0x4010];
	v8 =	vadd.f32 v8, v6  }
0x51: {  	v5 =	vld [tilespmem:s14+$0x4020]  }
0x52: {  	v4 =	vld [tilespmem:s14+$0x4030];
	[tilespmem:v10+s20+$0x0] =	vst.idx.msk $0xffff, v8  }
0x53: {  	v8 =	vld [tilespmem:s0+$0xFFFFFF10];
	_ =	sdelay $0x1  }
0x54: {  	v10 =	vor.u32 v1, v9;
	_ =	sdelay $0x2  }
0x55: {  	v8 =	vadd.f32 v8, v7;
	_ =	sdelay $0x1  }
0x56: {  	[tilespmem:v10+s20+$0x0] =	vst.idx.msk $0xffff, v8  }
0x57: {  	v8 =	vld [tilespmem:s0+$0xFFFFFF20];
	_ =	sdelay $0x1  }
0x58: {  	v10 =	vor.u32 v2, v9;
	_ =	sdelay $0x2  }
0x59: {  	v8 =	vadd.f32 v8, v5;
	_ =	sdelay $0x1  }
0x5a: {  	[tilespmem:v10+s20+$0x0] =	vst.idx.msk $0xffff, v8  }
0x5b: {  	v8 =	vld [tilespmem:s0+$0xFFFFFF30];
	_ =	sdelay $0x1  }
0x5c: {  	v9 =	vor.u32 v3, v9;
	_ =	sdelay $0x2  }
0x5d: {  	s4 =	simm.s32 $0x1;
	v8 =	vadd.f32 v8, v4  }
0x5e: {  	v10 =	vmov s4  }
0x5f: {  	[tilespmem:v9+s20+$0x0] =	vst.idx.msk $0xffff, v8;
	v8 =	vand.u32 $0x7D, v10  }
0x60: {  	v9 =	vld [tilespmem:s0+$0xFFFFFF80];
	v8 =	vbroadcast v8, $0x0;
	_ =	sdelay $0x1  }
0x61: {  	v10 =	vor.u32 v0, v8;
	_ =	sdelay $0x2  }
0x62: {  	v9 =	vadd.f32 v9, v6;
	_ =	sdelay $0x1  }
0x63: {  	[tilespmem:v10+s20+$0x0] =	vst.idx.msk $0xffff, v9  }
0x64: {  	v9 =	vld [tilespmem:s0+$0xFFFFFF90];
	_ =	sdelay $0x1  }
0x65: {  	v10 =	vor.u32 v1, v8;
	_ =	sdelay $0x2  }
0x66: {  	v9 =	vadd.f32 v9, v7;
	_ =	sdelay $0x1  }
0x67: {  	[tilespmem:v10+s20+$0x0] =	vst.idx.msk $0xffff, v9  }
0x68: {  	v9 =	vld [tilespmem:s0+$0xFFFFFFA0];
	_ =	sdelay $0x1  }
0x69: {  	v10 =	vor.u32 v2, v8;
	_ =	sdelay $0x2  }
0x6a: {  	v9 =	vadd.f32 v9, v5;
	_ =	sdelay $0x1  }
0x6b: {  	[tilespmem:v10+s20+$0x0] =	vst.idx.msk $0xffff, v9  }
0x6c: {  	v9 =	vld [tilespmem:s0+$0xFFFFFFB0];
	_ =	sdelay $0x1  }
0x6d: {  	v8 =	vor.u32 v3, v8;
	_ =	sdelay $0x2  }
0x6e: {  	s16 =	simm.s32 $0x2;
	v9 =	vadd.f32 v9, v4  }
0x6f: {  	v10 =	vmov s16  }
0x70: {  	[tilespmem:v8+s20+$0x0] =	vst.idx.msk $0xffff, v9;
	v8 =	vand.u32 $0x7E, v10  }
0x71: {  	v9 =	vld [tilespmem:s0+$0x0];
	v8 =	vbroadcast v8, $0x0;
	_ =	sdelay $0x1  }
0x72: {  	v10 =	vor.u32 v0, v8;
	_ =	sdelay $0x2  }
0x73: {  	v9 =	vadd.f32 v9, v6;
	_ =	sdelay $0x1  }
0x74: {  	[tilespmem:v10+s20+$0x0] =	vst.idx.msk $0xffff, v9  }
0x75: {  	v9 =	vld [tilespmem:s0+$0x10];
	_ =	sdelay $0x1  }
0x76: {  	v10 =	vor.u32 v1, v8;
	_ =	sdelay $0x2  }
0x77: {  	v9 =	vadd.f32 v9, v7;
	_ =	sdelay $0x1  }
0x78: {  	[tilespmem:v10+s20+$0x0] =	vst.idx.msk $0xffff, v9  }
0x79: {  	v9 =	vld [tilespmem:s0+$0x20];
	_ =	sdelay $0x1  }
0x7a: {  	v10 =	vor.u32 v2, v8;
	_ =	sdelay $0x2  }
0x7b: {  	v9 =	vadd.f32 v9, v5;
	_ =	sdelay $0x1  }
0x7c: {  	[tilespmem:v10+s20+$0x0] =	vst.idx.msk $0xffff, v9  }
0x7d: {  	v9 =	vld [tilespmem:s0+$0x30];
	_ =	sdelay $0x1  }
0x7e: {  	v8 =	vor.u32 v3, v8;
	_ =	sdelay $0x2  }
0x7f: {  	s17 =	simm.s32 $0x3;
	v9 =	vadd.f32 v9, v4  }
0x80: {  	v10 =	vmov s17  }
0x81: {  	[tilespmem:v8+s20+$0x0] =	vst.idx.msk $0xffff, v9;
	v8 =	vand.u32 $0x7F, v10  }
0x82: {  	v9 =	vld [tilespmem:s0+$0x80];
	v8 =	vbroadcast v8, $0x0;
	_ =	sdelay $0x1  }
0x83: {  	v10 =	vor.u32 v0, v8;
	_ =	sdelay $0x2  }
0x84: {  	v9 =	vadd.f32 v9, v6;
	_ =	sdelay $0x1  }
0x85: {  	[tilespmem:v10+s20+$0x0] =	vst.idx.msk $0xffff, v9  }
0x86: {  	v9 =	vld [tilespmem:s0+$0x90];
	_ =	sdelay $0x1  }
0x87: {  	v10 =	vor.u32 v1, v8;
	_ =	sdelay $0x2  }
0x88: {  	v9 =	vadd.f32 v9, v7;
	_ =	sdelay $0x1  }
0x89: {  	[tilespmem:v10+s20+$0x0] =	vst.idx.msk $0xffff, v9  }
0x8a: {  	v9 =	vld [tilespmem:s0+$0xA0];
	_ =	sdelay $0x1  }
0x8b: {  	v10 =	vor.u32 v2, v8;
	_ =	sdelay $0x2  }
0x8c: {  	v9 =	vadd.f32 v9, v5;
	_ =	sdelay $0x1  }
0x8d: {  	[tilespmem:v10+s20+$0x0] =	vst.idx.msk $0xffff, v9  }
0x8e: {  	v9 =	vld [tilespmem:s0+$0xB0];
	_ =	sdelay $0x1  }
0x8f: {  	v8 =	vor.u32 v3, v8;
	_ =	sdelay $0x1  }
0x90: {  	s14 =	simm.s32 $0x4  }
0x91: {  	s16 =	simm.s32 $0x8;
	v10 =	vmov s14;
	v9 =	vadd.f32 v9, v4  }
.LBB2_3:
0x92: {  	p1 =	slt.u32 s16, $0x7C  }
0x93: {  	v10 =	vand.u32 $0x7C, v10;
	[tilespmem:v8+s20+$0x0] =	vst.idx.msk $0xffff, v9;
	s0 =	sadd.s32 $0x200, s0;
	s17 =	smov.u32 s16;
	s16 =	sadd.s32 $0x4, s16  }
0x94: {  	v8 =	vld [tilespmem:s0+$0xFFFFFF00];
	v9 =	vbroadcast v10, $0x0;
	_ =	sdelay $0x1  }
0x95: {  	v10 =	vor.u32 v0, v9;
	_ =	sdelay $0x2  }
0x96: {  	v8 =	vadd.f32 v8, v6;
	_ =	sdelay $0x1  }
0x97: {  	[tilespmem:v10+s20+$0x0] =	vst.idx.msk $0xffff, v8  }
0x98: {  	v8 =	vld [tilespmem:s0+$0xFFFFFF10];
	_ =	sdelay $0x1  }
0x99: {  	v10 =	vor.u32 v1, v9;
	_ =	sdelay $0x2  }
0x9a: {  	v8 =	vadd.f32 v8, v7;
	_ =	sdelay $0x1  }
0x9b: {  	[tilespmem:v10+s20+$0x0] =	vst.idx.msk $0xffff, v8  }
0x9c: {  	v8 =	vld [tilespmem:s0+$0xFFFFFF20];
	_ =	sdelay $0x1  }
0x9d: {  	v10 =	vor.u32 v2, v9;
	_ =	sdelay $0x2  }
0x9e: {  	v8 =	vadd.f32 v8, v5;
	_ =	sdelay $0x1  }
0x9f: {  	[tilespmem:v10+s20+$0x0] =	vst.idx.msk $0xffff, v8  }
0xa0: {  	v8 =	vld [tilespmem:s0+$0xFFFFFF30];
	_ =	sdelay $0x1  }
0xa1: {  	v9 =	vor.u32 v3, v9;
	_ =	sdelay $0x2  }
0xa2: {  	s4 =	sadd.s32 $0x1, s14;
	v8 =	vadd.f32 v8, v4  }
0xa3: {  	v10 =	vmov s4  }
0xa4: {  	[tilespmem:v9+s20+$0x0] =	vst.idx.msk $0xffff, v8;
	v8 =	vand.u32 $0x7D, v10  }
0xa5: {  	v9 =	vld [tilespmem:s0+$0xFFFFFF80];
	v8 =	vbroadcast v8, $0x0;
	_ =	sdelay $0x1  }
0xa6: {  	v10 =	vor.u32 v0, v8;
	_ =	sdelay $0x2  }
0xa7: {  	v9 =	vadd.f32 v9, v6;
	_ =	sdelay $0x1  }
0xa8: {  	[tilespmem:v10+s20+$0x0] =	vst.idx.msk $0xffff, v9  }
0xa9: {  	v9 =	vld [tilespmem:s0+$0xFFFFFF90];
	_ =	sdelay $0x1  }
0xaa: {  	v10 =	vor.u32 v1, v8;
	_ =	sdelay $0x2  }
0xab: {  	v9 =	vadd.f32 v9, v7;
	_ =	sdelay $0x1  }
0xac: {  	[tilespmem:v10+s20+$0x0] =	vst.idx.msk $0xffff, v9  }
0xad: {  	v9 =	vld [tilespmem:s0+$0xFFFFFFA0];
	_ =	sdelay $0x1  }
0xae: {  	v10 =	vor.u32 v2, v8;
	_ =	sdelay $0x2  }
0xaf: {  	v9 =	vadd.f32 v9, v5;
	_ =	sdelay $0x1  }
0xb0: {  	[tilespmem:v10+s20+$0x0] =	vst.idx.msk $0xffff, v9  }
0xb1: {  	v9 =	vld [tilespmem:s0+$0xFFFFFFB0];
	_ =	sdelay $0x1  }
0xb2: {  	v8 =	vor.u32 v3, v8;
	_ =	sdelay $0x2  }
0xb3: {  	s4 =	sadd.s32 $0x2, s14;
	v9 =	vadd.f32 v9, v4  }
0xb4: {  	v10 =	vmov s4  }
0xb5: {  	[tilespmem:v8+s20+$0x0] =	vst.idx.msk $0xffff, v9;
	v8 =	vand.u32 $0x7E, v10  }
0xb6: {  	v9 =	vld [tilespmem:s0+$0x0];
	v8 =	vbroadcast v8, $0x0;
	_ =	sdelay $0x1  }
0xb7: {  	v10 =	vor.u32 v0, v8;
	_ =	sdelay $0x2  }
0xb8: {  	v9 =	vadd.f32 v9, v6;
	_ =	sdelay $0x1  }
0xb9: {  	[tilespmem:v10+s20+$0x0] =	vst.idx.msk $0xffff, v9  }
0xba: {  	v9 =	vld [tilespmem:s0+$0x10];
	_ =	sdelay $0x1  }
0xbb: {  	v10 =	vor.u32 v1, v8;
	_ =	sdelay $0x2  }
0xbc: {  	v9 =	vadd.f32 v9, v7;
	_ =	sdelay $0x1  }
0xbd: {  	[tilespmem:v10+s20+$0x0] =	vst.idx.msk $0xffff, v9  }
0xbe: {  	v9 =	vld [tilespmem:s0+$0x20];
	_ =	sdelay $0x1  }
0xbf: {  	v10 =	vor.u32 v2, v8;
	_ =	sdelay $0x2  }
0xc0: {  	v9 =	vadd.f32 v9, v5;
	_ =	sdelay $0x1  }
0xc1: {  	[tilespmem:v10+s20+$0x0] =	vst.idx.msk $0xffff, v9  }
0xc2: {  	v9 =	vld [tilespmem:s0+$0x30];
	_ =	sdelay $0x1  }
0xc3: {  	v8 =	vor.u32 v3, v8;
	_ =	sdelay $0x2  }
0xc4: {  	s4 =	sadd.s32 $0x3, s14;
	s14 =	smov.u32 s17;
	v9 =	vadd.f32 v9, v4  }
0xc5: {  	v10 =	vmov s4  }
0xc6: {  	[tilespmem:v8+s20+$0x0] =	vst.idx.msk $0xffff, v9;
	v8 =	vand.u32 $0x7F, v10  }
0xc7: {  	v9 =	vld [tilespmem:s0+$0x80];
	v8 =	vbroadcast v8, $0x0;
	_ =	sdelay $0x1  }
0xc8: {  	v10 =	vor.u32 v0, v8;
	_ =	sdelay $0x2  }
0xc9: {  	v9 =	vadd.f32 v9, v6;
	_ =	sdelay $0x1  }
0xca: {  	[tilespmem:v10+s20+$0x0] =	vst.idx.msk $0xffff, v9  }
0xcb: {  	v9 =	vld [tilespmem:s0+$0x90];
	_ =	sdelay $0x1  }
0xcc: {  	v10 =	vor.u32 v1, v8;
	_ =	sdelay $0x2  }
0xcd: {  	v9 =	vadd.f32 v9, v7;
	_ =	sdelay $0x1  }
0xce: {  	[tilespmem:v10+s20+$0x0] =	vst.idx.msk $0xffff, v9  }
0xcf: {  	v9 =	vld [tilespmem:s0+$0xA0];
	_ =	sdelay $0x1  }
0xd0: {  	v10 =	vor.u32 v2, v8;
	_ =	sdelay $0x2  }
0xd1: {  	v9 =	vadd.f32 v9, v5;
	_ =	sdelay $0x1  }
0xd2: {  	[tilespmem:v10+s20+$0x0] =	vst.idx.msk $0xffff, v9  }
0xd3: {  	v9 =	vld [tilespmem:s0+$0xB0];
	_ =	sdelay $0x1  }
.Ltmp2:
0xd4: {  	v8 =	vor.u32 v3, v8;
	(pc) =	sbr.rel @p1 .LBB2_3-.Ltmp2, $3  }
0xd5: {  	_ =	sdelay $0x1  }
0xd6: {  	v9 =	vadd.f32 v9, v4  }
0xd7: {  	v10 =	vmov s14  }
0xd8: {  	_ =	sdelay $0x3  }
0xd9: {  	v10 =	vand.u32 $0x7C, v10;
	[tilespmem:v8+s20+$0x0] =	vst.idx.msk $0xffff, v9;
	s0 =	sadd.s32 $0x200, s0  }
0xda: {  	v8 =	vld [tilespmem:s0+$0xFFFFFF00];
	v9 =	vbroadcast v10, $0x0;
	_ =	sdelay $0x1  }
0xdb: {  	v10 =	vor.u32 v0, v9;
	_ =	sdelay $0x2  }
0xdc: {  	v8 =	vadd.f32 v8, v6;
	_ =	sdelay $0x1  }
0xdd: {  	[tilespmem:v10+s20+$0x0] =	vst.idx.msk $0xffff, v8  }
0xde: {  	v8 =	vld [tilespmem:s0+$0xFFFFFF10];
	_ =	sdelay $0x1  }
0xdf: {  	v10 =	vor.u32 v1, v9;
	_ =	sdelay $0x2  }
0xe0: {  	v8 =	vadd.f32 v8, v7;
	_ =	sdelay $0x1  }
0xe1: {  	[tilespmem:v10+s20+$0x0] =	vst.idx.msk $0xffff, v8  }
0xe2: {  	v8 =	vld [tilespmem:s0+$0xFFFFFF20];
	_ =	sdelay $0x1  }
0xe3: {  	v10 =	vor.u32 v2, v9;
	_ =	sdelay $0x2  }
0xe4: {  	v8 =	vadd.f32 v8, v5;
	_ =	sdelay $0x1  }
0xe5: {  	[tilespmem:v10+s20+$0x0] =	vst.idx.msk $0xffff, v8  }
0xe6: {  	v8 =	vld [tilespmem:s0+$0xFFFFFF30];
	_ =	sdelay $0x1  }
0xe7: {  	v9 =	vor.u32 v3, v9;
	_ =	sdelay $0x2  }
0xe8: {  	s4 =	sadd.s32 $0x1, s14;
	v8 =	vadd.f32 v8, v4  }
0xe9: {  	v10 =	vmov s4  }
0xea: {  	[tilespmem:v9+s20+$0x0] =	vst.idx.msk $0xffff, v8;
	v8 =	vand.u32 $0x7D, v10  }
0xeb: {  	v9 =	vld [tilespmem:s0+$0xFFFFFF80];
	v8 =	vbroadcast v8, $0x0;
	_ =	sdelay $0x1  }
0xec: {  	v10 =	vor.u32 v0, v8;
	_ =	sdelay $0x2  }
0xed: {  	v9 =	vadd.f32 v9, v6;
	_ =	sdelay $0x1  }
0xee: {  	[tilespmem:v10+s20+$0x0] =	vst.idx.msk $0xffff, v9  }
0xef: {  	v9 =	vld [tilespmem:s0+$0xFFFFFF90];
	_ =	sdelay $0x1  }
0xf0: {  	v10 =	vor.u32 v1, v8;
	_ =	sdelay $0x2  }
0xf1: {  	v9 =	vadd.f32 v9, v7;
	_ =	sdelay $0x1  }
0xf2: {  	[tilespmem:v10+s20+$0x0] =	vst.idx.msk $0xffff, v9  }
0xf3: {  	v9 =	vld [tilespmem:s0+$0xFFFFFFA0];
	_ =	sdelay $0x1  }
0xf4: {  	v10 =	vor.u32 v2, v8;
	_ =	sdelay $0x2  }
0xf5: {  	v9 =	vadd.f32 v9, v5;
	_ =	sdelay $0x1  }
0xf6: {  	[tilespmem:v10+s20+$0x0] =	vst.idx.msk $0xffff, v9  }
0xf7: {  	v9 =	vld [tilespmem:s0+$0xFFFFFFB0];
	_ =	sdelay $0x1  }
0xf8: {  	v8 =	vor.u32 v3, v8;
	_ =	sdelay $0x2  }
0xf9: {  	s16 =	sadd.s32 $0x2, s14;
	v9 =	vadd.f32 v9, v4  }
0xfa: {  	v10 =	vmov s16  }
0xfb: {  	[tilespmem:v8+s20+$0x0] =	vst.idx.msk $0xffff, v9;
	v8 =	vand.u32 $0x7E, v10  }
0xfc: {  	v9 =	vld [tilespmem:s0+$0x0];
	v8 =	vbroadcast v8, $0x0;
	_ =	sdelay $0x1  }
0xfd: {  	v10 =	vor.u32 v0, v8;
	_ =	sdelay $0x2  }
0xfe: {  	v9 =	vadd.f32 v9, v6;
	_ =	sdelay $0x1  }
0xff: {  	[tilespmem:v10+s20+$0x0] =	vst.idx.msk $0xffff, v9  }
0x100: {  	v9 =	vld [tilespmem:s0+$0x10];
	_ =	sdelay $0x1  }
0x101: {  	v10 =	vor.u32 v1, v8;
	_ =	sdelay $0x2  }
0x102: {  	v9 =	vadd.f32 v9, v7;
	_ =	sdelay $0x1  }
0x103: {  	[tilespmem:v10+s20+$0x0] =	vst.idx.msk $0xffff, v9  }
0x104: {  	v9 =	vld [tilespmem:s0+$0x20];
	_ =	sdelay $0x1  }
0x105: {  	v10 =	vor.u32 v2, v8;
	_ =	sdelay $0x2  }
0x106: {  	v9 =	vadd.f32 v9, v5;
	_ =	sdelay $0x1  }
0x107: {  	[tilespmem:v10+s20+$0x0] =	vst.idx.msk $0xffff, v9  }
0x108: {  	v9 =	vld [tilespmem:s0+$0x30];
	_ =	sdelay $0x1  }
0x109: {  	v8 =	vor.u32 v3, v8;
	_ =	sdelay $0x2  }
0x10a: {  	s17 =	sadd.s32 $0x3, s14;
	v9 =	vadd.f32 v9, v4  }
0x10b: {  	v10 =	vmov s17  }
0x10c: {  	[tilespmem:v8+s20+$0x0] =	vst.idx.msk $0xffff, v9;
	v8 =	vand.u32 $0x7F, v10  }
0x10d: {  	v9 =	vld [tilespmem:s0+$0x80];
	v8 =	vbroadcast v8, $0x0;
	_ =	sdelay $0x1  }
0x10e: {  	v10 =	vor.u32 v0, v8;
	_ =	sdelay $0x2  }
0x10f: {  	v6 =	vadd.f32 v9, v6;
	_ =	sdelay $0x1  }
0x110: {  	[tilespmem:v10+s20+$0x0] =	vst.idx.msk $0xffff, v6  }
0x111: {  	v6 =	vld [tilespmem:s0+$0x90];
	_ =	sdelay $0x1  }
0x112: {  	v9 =	vor.u32 v1, v8;
	_ =	sdelay $0x2  }
0x113: {  	v6 =	vadd.f32 v6, v7;
	_ =	sdelay $0x1  }
0x114: {  	[tilespmem:v9+s20+$0x0] =	vst.idx.msk $0xffff, v6  }
0x115: {  	v6 =	vld [tilespmem:s0+$0xA0];
	_ =	sdelay $0x1  }
0x116: {  	v7 =	vor.u32 v2, v8;
	_ =	sdelay $0x2  }
0x117: {  	v5 =	vadd.f32 v6, v5;
	_ =	sdelay $0x1  }
0x118: {  	[tilespmem:v7+s20+$0x0] =	vst.idx.msk $0xffff, v5  }
0x119: {  	v5 =	vld [tilespmem:s0+$0xB0];
	_ =	sdelay $0x1  }
0x11a: {  	v6 =	vor.u32 v3, v8;
	_ =	sdelay $0x1  }
0x11b: {  	s14 =	sshll.u32 s31, $0x7  }
0x11c: {  	s0 =	sand.u32 $0x300, s14;
	v4 =	vadd.f32 v5, v4  }
0x11d: {  	s2 =	sshll.u32 s2, $0xD;
	s0 =	sadd.s32 s3, s0  }
0x11e: {  	p1 =	seq.s32 s29, $0x18;
	s0 =	sadd.s32 s2, s0;
	[tilespmem:v6+s20+$0x0] =	vst.idx.msk $0xffff, v4  }
0x11f: {  	[hbm4b:s0+s21] =	stream.strided.scatter [tilespmem:s20], [sflag:$0x3], $0x2000, s22, s21, $0x38;
	[tilespmem:$0x16500] =	vst v63  }
0x120: {  	s0 =	sadd.s32 @!p1 $0x2, s31  }
0x121: {  	s2 =	sshrl.u32 @!p1 s0, $0x3  }
0x122: {  	s2 =	ssub.s32 @!p1 s2, s5  }
0x123: {  	s4 =	sshll.u32 @!p1 s0, $0xA;
	s2 =	sshll.u32 @!p1 s2, $0xA  }
0x124: {  	s0 =	sshll.u32 @!p1 s0, $0x4;
	s4 =	sand.u32 @!p1 $0x1800, s4;
	s2 =	sand.u32 @!p1 $0xFFFFE000, s2  }
0x125: {  	s0 =	sand.u32 @!p1 $0x380, s0;
	s2 =	sor.u32 @!p1 s4, s2  }
0x126: {  	s0 =	sor.u32 @!p1 s0, s2  }
0x127: {  	v4 =	vld @!p1 [tilespmem:s0+$0x0];
	_ =	sdelay $0x4  }
0x128: {  	[tilespmem:$0xA400] =	vst @!p1 v4  }
0x129: {  	v4 =	vld @!p1 [tilespmem:s0+$0x10];
	_ =	sdelay $0x4  }
0x12a: {  	[tilespmem:$0xA410] =	vst @!p1 v4  }
0x12b: {  	v4 =	vld @!p1 [tilespmem:s0+$0x20];
	_ =	sdelay $0x4  }
0x12c: {  	[tilespmem:$0xA420] =	vst @!p1 v4  }
0x12d: {  	v4 =	vld @!p1 [tilespmem:s0+$0x30];
	_ =	sdelay $0x4  }
0x12e: {  	[tilespmem:$0xA430] =	vst @!p1 v4  }
0x12f: {  	v4 =	vld @!p1 [tilespmem:s0+$0x40];
	_ =	sdelay $0x4  }
0x130: {  	[tilespmem:$0xA440] =	vst @!p1 v4  }
0x131: {  	v4 =	vld @!p1 [tilespmem:s0+$0x50];
	_ =	sdelay $0x4  }
0x132: {  	[tilespmem:$0xA450] =	vst @!p1 v4  }
0x133: {  	v4 =	vld @!p1 [tilespmem:s0+$0x60];
	_ =	sdelay $0x4  }
0x134: {  	[tilespmem:$0xA460] =	vst @!p1 v4  }
0x135: {  	v4 =	vld @!p1 [tilespmem:s0+$0x70];
	_ =	sdelay $0x4  }
0x136: {  	s4 =	simm.s32 @!p1 $0xA500;
	s2 =	simm.s32 @!p1 $0xA400;
	s0 =	simm.s32 @!p1 $0x80;
	[tilespmem:$0xA470] =	vst @!p1 v4  }
0x137: {  	[tilespmem:s4], [sflag:$0x1] =	stream.indirect.gather @!p1 [hbm4b:s6+s0], $0x80, s2, s0, $0xb8;
	[tilespmem:$0x16500] =	vst v63  }
0x138: {  	_ =	swait.ge [sflag:s23], $0x4000  }
0x139: {  	s16 =	sadd.s32 s30, s1;
	[sflag:s23] =	ssyncset.done $0x0  }
0x13a: {  	s30 =	sadd.s32 $0x1, s16;
	s0 =	simm.s32 @!p0 $0x4;
	[sflag:s23] =	ssyncadd.s32 $0xFFFFC000  }
0x13b: {  	s2 =	sshrl.u32 s30, $0x3;
	_ =	swait.ge @!p0 [sflag:s0], $0x2000  }
0x13c: {  	s31 =	simm.s32 $0x0;
	s17 =	sshll.u32 s2, $0x7;
	[sflag:s0] =	ssyncset.done @!p0 $0x0  }
0x13d: {  	v4 =	vmov s31;
	s4 =	sand.u32 $0x3FFFFF80, s17;
	[sflag:s0] =	ssyncadd.s32 @!p0 $0xFFFFE000  }
0x13e: {  	v4 =	vand.u32 $0x7C, v4;
	s0 =	simm.s32 $0xE6B0;
	v6 =	vld [tilespmem:s4+$0x4000]  }
0x13f: {  	v9 =	vbroadcast v4, $0x0;
	v8 =	vld [tilespmem:s0+$0xFFFFFE50];
	_ =	sdelay $0x1  }
0x140: {  	v10 =	vor.u32 v0, v9;
	_ =	sdelay $0x2  }
0x141: {  	v7 =	vld [tilespmem:s4+$0x4010];
	v8 =	vadd.f32 v8, v6  }
0x142: {  	v5 =	vld [tilespmem:s4+$0x4020]  }
0x143: {  	v4 =	vld [tilespmem:s4+$0x4030];
	[tilespmem:v10+s24+$0x0] =	vst.idx.msk $0xffff, v8  }
0x144: {  	v8 =	vld [tilespmem:s0+$0xFFFFFE60];
	_ =	sdelay $0x1  }
0x145: {  	v10 =	vor.u32 v1, v9;
	_ =	sdelay $0x2  }
0x146: {  	v8 =	vadd.f32 v8, v7;
	_ =	sdelay $0x1  }
0x147: {  	[tilespmem:v10+s24+$0x0] =	vst.idx.msk $0xffff, v8  }
0x148: {  	v8 =	vld [tilespmem:s0+$0xFFFFFE70];
	_ =	sdelay $0x1  }
0x149: {  	v10 =	vor.u32 v2, v9;
	_ =	sdelay $0x2  }
0x14a: {  	v8 =	vadd.f32 v8, v5;
	_ =	sdelay $0x1  }
0x14b: {  	[tilespmem:v10+s24+$0x0] =	vst.idx.msk $0xffff, v8  }
0x14c: {  	v8 =	vld [tilespmem:s0+$0xFFFFFE80];
	_ =	sdelay $0x1  }
0x14d: {  	v9 =	vor.u32 v3, v9;
	_ =	sdelay $0x2  }
0x14e: {  	s16 =	simm.s32 $0x1;
	v8 =	vadd.f32 v8, v4  }
0x14f: {  	v10 =	vmov s16  }
0x150: {  	[tilespmem:v9+s24+$0x0] =	vst.idx.msk $0xffff, v8;
	v8 =	vand.u32 $0x7D, v10  }
0x151: {  	v9 =	vld [tilespmem:s0+$0xFFFFFED0];
	v8 =	vbroadcast v8, $0x0;
	_ =	sdelay $0x1  }
0x152: {  	v10 =	vor.u32 v0, v8;
	_ =	sdelay $0x2  }
0x153: {  	v9 =	vadd.f32 v9, v6;
	_ =	sdelay $0x1  }
0x154: {  	[tilespmem:v10+s24+$0x0] =	vst.idx.msk $0xffff, v9  }
0x155: {  	v9 =	vld [tilespmem:s0+$0xFFFFFEE0];
	_ =	sdelay $0x1  }
0x156: {  	v10 =	vor.u32 v1, v8;
	_ =	sdelay $0x2  }
0x157: {  	v9 =	vadd.f32 v9, v7;
	_ =	sdelay $0x1  }
0x158: {  	[tilespmem:v10+s24+$0x0] =	vst.idx.msk $0xffff, v9  }
0x159: {  	v9 =	vld [tilespmem:s0+$0xFFFFFEF0];
	_ =	sdelay $0x1  }
0x15a: {  	v10 =	vor.u32 v2, v8;
	_ =	sdelay $0x2  }
0x15b: {  	v9 =	vadd.f32 v9, v5;
	_ =	sdelay $0x1  }
0x15c: {  	[tilespmem:v10+s24+$0x0] =	vst.idx.msk $0xffff, v9  }
0x15d: {  	v9 =	vld [tilespmem:s0+$0xFFFFFF00];
	_ =	sdelay $0x1  }
0x15e: {  	v8 =	vor.u32 v3, v8;
	_ =	sdelay $0x2  }
0x15f: {  	s17 =	simm.s32 $0x2;
	v9 =	vadd.f32 v9, v4  }
0x160: {  	v10 =	vmov s17  }
0x161: {  	[tilespmem:v8+s24+$0x0] =	vst.idx.msk $0xffff, v9;
	v8 =	vand.u32 $0x7E, v10  }
0x162: {  	v9 =	vld [tilespmem:s0+$0xFFFFFF50];
	v8 =	vbroadcast v8, $0x0;
	_ =	sdelay $0x1  }
0x163: {  	v10 =	vor.u32 v0, v8;
	_ =	sdelay $0x2  }
0x164: {  	v9 =	vadd.f32 v9, v6;
	_ =	sdelay $0x1  }
0x165: {  	[tilespmem:v10+s24+$0x0] =	vst.idx.msk $0xffff, v9  }
0x166: {  	v9 =	vld [tilespmem:s0+$0xFFFFFF60];
	_ =	sdelay $0x1  }
0x167: {  	v10 =	vor.u32 v1, v8;
	_ =	sdelay $0x2  }
0x168: {  	v9 =	vadd.f32 v9, v7;
	_ =	sdelay $0x1  }
0x169: {  	[tilespmem:v10+s24+$0x0] =	vst.idx.msk $0xffff, v9  }
0x16a: {  	v9 =	vld [tilespmem:s0+$0xFFFFFF70];
	_ =	sdelay $0x1  }
0x16b: {  	v10 =	vor.u32 v2, v8;
	_ =	sdelay $0x2  }
0x16c: {  	v9 =	vadd.f32 v9, v5;
	_ =	sdelay $0x1  }
0x16d: {  	[tilespmem:v10+s24+$0x0] =	vst.idx.msk $0xffff, v9  }
0x16e: {  	v9 =	vld [tilespmem:s0+$0xFFFFFF80];
	_ =	sdelay $0x1  }
0x16f: {  	v8 =	vor.u32 v3, v8;
	_ =	sdelay $0x2  }
0x170: {  	s31 =	simm.s32 $0x3;
	v9 =	vadd.f32 v9, v4  }
0x171: {  	v10 =	vmov s31  }
0x172: {  	[tilespmem:v8+s24+$0x0] =	vst.idx.msk $0xffff, v9;
	v8 =	vand.u32 $0x7F, v10  }
0x173: {  	v9 =	vld [tilespmem:s0+$0xFFFFFFD0];
	v8 =	vbroadcast v8, $0x0;
	_ =	sdelay $0x1  }
0x174: {  	v10 =	vor.u32 v0, v8;
	_ =	sdelay $0x2  }
0x175: {  	v9 =	vadd.f32 v9, v6;
	_ =	sdelay $0x1  }
0x176: {  	[tilespmem:v10+s24+$0x0] =	vst.idx.msk $0xffff, v9  }
0x177: {  	v9 =	vld [tilespmem:s0+$0xFFFFFFE0];
	_ =	sdelay $0x1  }
0x178: {  	v10 =	vor.u32 v1, v8;
	_ =	sdelay $0x2  }
0x179: {  	v9 =	vadd.f32 v9, v7;
	_ =	sdelay $0x1  }
0x17a: {  	[tilespmem:v10+s24+$0x0] =	vst.idx.msk $0xffff, v9  }
0x17b: {  	v9 =	vld [tilespmem:s0+$0xFFFFFFF0];
	_ =	sdelay $0x1  }
0x17c: {  	v10 =	vor.u32 v2, v8;
	_ =	sdelay $0x2  }
0x17d: {  	v9 =	vadd.f32 v9, v5;
	_ =	sdelay $0x1  }
0x17e: {  	[tilespmem:v10+s24+$0x0] =	vst.idx.msk $0xffff, v9  }
0x17f: {  	v9 =	vld [tilespmem:s0+$0x0];
	_ =	sdelay $0x1  }
0x180: {  	v8 =	vor.u32 v3, v8;
	_ =	sdelay $0x1  }
0x181: {  	s14 =	simm.s32 $0x4  }
0x182: {  	s16 =	simm.s32 $0x8;
	v10 =	vmov s14;
	v9 =	vadd.f32 v9, v4  }
.LBB2_5:
0x183: {  	p0 =	slt.u32 s16, $0x7C  }
0x184: {  	v10 =	vand.u32 $0x7C, v10;
	[tilespmem:v8+s24+$0x0] =	vst.idx.msk $0xffff, v9;
	s0 =	sadd.s32 $0x200, s0;
	s17 =	smov.u32 s16;
	s16 =	sadd.s32 $0x4, s16  }
0x185: {  	v8 =	vld [tilespmem:s0+$0xFFFFFE50];
	v9 =	vbroadcast v10, $0x0;
	_ =	sdelay $0x1  }
0x186: {  	v10 =	vor.u32 v0, v9;
	_ =	sdelay $0x2  }
0x187: {  	v8 =	vadd.f32 v8, v6;
	_ =	sdelay $0x1  }
0x188: {  	[tilespmem:v10+s24+$0x0] =	vst.idx.msk $0xffff, v8  }
0x189: {  	v8 =	vld [tilespmem:s0+$0xFFFFFE60];
	_ =	sdelay $0x1  }
0x18a: {  	v10 =	vor.u32 v1, v9;
	_ =	sdelay $0x2  }
0x18b: {  	v8 =	vadd.f32 v8, v7;
	_ =	sdelay $0x1  }
0x18c: {  	[tilespmem:v10+s24+$0x0] =	vst.idx.msk $0xffff, v8  }
0x18d: {  	v8 =	vld [tilespmem:s0+$0xFFFFFE70];
	_ =	sdelay $0x1  }
0x18e: {  	v10 =	vor.u32 v2, v9;
	_ =	sdelay $0x2  }
0x18f: {  	v8 =	vadd.f32 v8, v5;
	_ =	sdelay $0x1  }
0x190: {  	[tilespmem:v10+s24+$0x0] =	vst.idx.msk $0xffff, v8  }
0x191: {  	v8 =	vld [tilespmem:s0+$0xFFFFFE80];
	_ =	sdelay $0x1  }
0x192: {  	v9 =	vor.u32 v3, v9;
	_ =	sdelay $0x2  }
0x193: {  	s4 =	sadd.s32 $0x1, s14;
	v8 =	vadd.f32 v8, v4  }
0x194: {  	v10 =	vmov s4  }
0x195: {  	[tilespmem:v9+s24+$0x0] =	vst.idx.msk $0xffff, v8;
	v8 =	vand.u32 $0x7D, v10  }
0x196: {  	v9 =	vld [tilespmem:s0+$0xFFFFFED0];
	v8 =	vbroadcast v8, $0x0;
	_ =	sdelay $0x1  }
0x197: {  	v10 =	vor.u32 v0, v8;
	_ =	sdelay $0x2  }
0x198: {  	v9 =	vadd.f32 v9, v6;
	_ =	sdelay $0x1  }
0x199: {  	[tilespmem:v10+s24+$0x0] =	vst.idx.msk $0xffff, v9  }
0x19a: {  	v9 =	vld [tilespmem:s0+$0xFFFFFEE0];
	_ =	sdelay $0x1  }
0x19b: {  	v10 =	vor.u32 v1, v8;
	_ =	sdelay $0x2  }
0x19c: {  	v9 =	vadd.f32 v9, v7;
	_ =	sdelay $0x1  }
0x19d: {  	[tilespmem:v10+s24+$0x0] =	vst.idx.msk $0xffff, v9  }
0x19e: {  	v9 =	vld [tilespmem:s0+$0xFFFFFEF0];
	_ =	sdelay $0x1  }
0x19f: {  	v10 =	vor.u32 v2, v8;
	_ =	sdelay $0x2  }
0x1a0: {  	v9 =	vadd.f32 v9, v5;
	_ =	sdelay $0x1  }
0x1a1: {  	[tilespmem:v10+s24+$0x0] =	vst.idx.msk $0xffff, v9  }
0x1a2: {  	v9 =	vld [tilespmem:s0+$0xFFFFFF00];
	_ =	sdelay $0x1  }
0x1a3: {  	v8 =	vor.u32 v3, v8;
	_ =	sdelay $0x2  }
0x1a4: {  	s4 =	sadd.s32 $0x2, s14;
	v9 =	vadd.f32 v9, v4  }
0x1a5: {  	v10 =	vmov s4  }
0x1a6: {  	[tilespmem:v8+s24+$0x0] =	vst.idx.msk $0xffff, v9;
	v8 =	vand.u32 $0x7E, v10  }
0x1a7: {  	v9 =	vld [tilespmem:s0+$0xFFFFFF50];
	v8 =	vbroadcast v8, $0x0;
	_ =	sdelay $0x1  }
0x1a8: {  	v10 =	vor.u32 v0, v8;
	_ =	sdelay $0x2  }
0x1a9: {  	v9 =	vadd.f32 v9, v6;
	_ =	sdelay $0x1  }
0x1aa: {  	[tilespmem:v10+s24+$0x0] =	vst.idx.msk $0xffff, v9  }
0x1ab: {  	v9 =	vld [tilespmem:s0+$0xFFFFFF60];
	_ =	sdelay $0x1  }
0x1ac: {  	v10 =	vor.u32 v1, v8;
	_ =	sdelay $0x2  }
0x1ad: {  	v9 =	vadd.f32 v9, v7;
	_ =	sdelay $0x1  }
0x1ae: {  	[tilespmem:v10+s24+$0x0] =	vst.idx.msk $0xffff, v9  }
0x1af: {  	v9 =	vld [tilespmem:s0+$0xFFFFFF70];
	_ =	sdelay $0x1  }
0x1b0: {  	v10 =	vor.u32 v2, v8;
	_ =	sdelay $0x2  }
0x1b1: {  	v9 =	vadd.f32 v9, v5;
	_ =	sdelay $0x1  }
0x1b2: {  	[tilespmem:v10+s24+$0x0] =	vst.idx.msk $0xffff, v9  }
0x1b3: {  	v9 =	vld [tilespmem:s0+$0xFFFFFF80];
	_ =	sdelay $0x1  }
0x1b4: {  	v8 =	vor.u32 v3, v8;
	_ =	sdelay $0x2  }
0x1b5: {  	s4 =	sadd.s32 $0x3, s14;
	s14 =	smov.u32 s17;
	v9 =	vadd.f32 v9, v4  }
0x1b6: {  	v10 =	vmov s4  }
0x1b7: {  	[tilespmem:v8+s24+$0x0] =	vst.idx.msk $0xffff, v9;
	v8 =	vand.u32 $0x7F, v10  }
0x1b8: {  	v9 =	vld [tilespmem:s0+$0xFFFFFFD0];
	v8 =	vbroadcast v8, $0x0;
	_ =	sdelay $0x1  }
0x1b9: {  	v10 =	vor.u32 v0, v8;
	_ =	sdelay $0x2  }
0x1ba: {  	v9 =	vadd.f32 v9, v6;
	_ =	sdelay $0x1  }
0x1bb: {  	[tilespmem:v10+s24+$0x0] =	vst.idx.msk $0xffff, v9  }
0x1bc: {  	v9 =	vld [tilespmem:s0+$0xFFFFFFE0];
	_ =	sdelay $0x1  }
0x1bd: {  	v10 =	vor.u32 v1, v8;
	_ =	sdelay $0x2  }
0x1be: {  	v9 =	vadd.f32 v9, v7;
	_ =	sdelay $0x1  }
0x1bf: {  	[tilespmem:v10+s24+$0x0] =	vst.idx.msk $0xffff, v9  }
0x1c0: {  	v9 =	vld [tilespmem:s0+$0xFFFFFFF0];
	_ =	sdelay $0x1  }
0x1c1: {  	v10 =	vor.u32 v2, v8;
	_ =	sdelay $0x2  }
0x1c2: {  	v9 =	vadd.f32 v9, v5;
	_ =	sdelay $0x1  }
0x1c3: {  	[tilespmem:v10+s24+$0x0] =	vst.idx.msk $0xffff, v9  }
0x1c4: {  	v9 =	vld [tilespmem:s0+$0x0];
	_ =	sdelay $0x1  }
.Ltmp3:
0x1c5: {  	v8 =	vor.u32 v3, v8;
	(pc) =	sbr.rel @p0 .LBB2_5-.Ltmp3, $3  }
0x1c6: {  	_ =	sdelay $0x1  }
0x1c7: {  	v9 =	vadd.f32 v9, v4  }
0x1c8: {  	v10 =	vmov s14  }
0x1c9: {  	_ =	sdelay $0x3  }
0x1ca: {  	v10 =	vand.u32 $0x7C, v10;
	[tilespmem:v8+s24+$0x0] =	vst.idx.msk $0xffff, v9;
	s0 =	sadd.s32 $0x200, s0  }
0x1cb: {  	v8 =	vld [tilespmem:s0+$0xFFFFFE50];
	v44 =	vbroadcast v10, $0x0;
	_ =	sdelay $0x1  }
0x1cc: {  	v10 =	vor.u32 v0, v44;
	_ =	sdelay $0x2  }
0x1cd: {  	v8 =	vadd.f32 v8, v6;
	_ =	sdelay $0x1  }
0x1ce: {  	[tilespmem:v10+s24+$0x0] =	vst.idx.msk $0xffff, v8  }
0x1cf: {  	v8 =	vld [tilespmem:s0+$0xFFFFFE60];
	_ =	sdelay $0x1  }
0x1d0: {  	v45 =	vor.u32 v1, v44;
	_ =	sdelay $0x2  }
0x1d1: {  	v8 =	vadd.f32 v8, v7;
	_ =	sdelay $0x1  }
0x1d2: {  	[tilespmem:v45+s24+$0x0] =	vst.idx.msk $0xffff, v8  }
0x1d3: {  	v8 =	vld [tilespmem:s0+$0xFFFFFE70];
	_ =	sdelay $0x1  }
0x1d4: {  	v46 =	vor.u32 v2, v44;
	_ =	sdelay $0x2  }
0x1d5: {  	v8 =	vadd.f32 v8, v5;
	_ =	sdelay $0x1  }
0x1d6: {  	[tilespmem:v46+s24+$0x0] =	vst.idx.msk $0xffff, v8  }
0x1d7: {  	v8 =	vld [tilespmem:s0+$0xFFFFFE80];
	_ =	sdelay $0x1  }
0x1d8: {  	v9 =	vor.u32 v3, v44;
	_ =	sdelay $0x2  }
0x1d9: {  	s4 =	sadd.s32 $0x1, s14;
	v8 =	vadd.f32 v8, v4  }
0x1da: {  	v47 =	vmov s4  }
0x1db: {  	v48 =	vand.u32 $0x7D, v47;
	[tilespmem:v9+s24+$0x0] =	vst.idx.msk $0xffff, v8  }
0x1dc: {  	v8 =	vbroadcast v48, $0x0;
	v9 =	vld [tilespmem:s0+$0xFFFFFED0];
	_ =	sdelay $0x1  }
0x1dd: {  	v49 =	vor.u32 v0, v8;
	_ =	sdelay $0x2  }
0x1de: {  	v9 =	vadd.f32 v9, v6;
	_ =	sdelay $0x1  }
0x1df: {  	[tilespmem:v49+s24+$0x0] =	vst.idx.msk $0xffff, v9  }
0x1e0: {  	v9 =	vld [tilespmem:s0+$0xFFFFFEE0];
	_ =	sdelay $0x1  }
0x1e1: {  	v50 =	vor.u32 v1, v8;
	_ =	sdelay $0x2  }
0x1e2: {  	v9 =	vadd.f32 v9, v7;
	_ =	sdelay $0x1  }
0x1e3: {  	[tilespmem:v50+s24+$0x0] =	vst.idx.msk $0xffff, v9  }
0x1e4: {  	v9 =	vld [tilespmem:s0+$0xFFFFFEF0];
	_ =	sdelay $0x1  }
0x1e5: {  	v51 =	vor.u32 v2, v8;
	_ =	sdelay $0x2  }
0x1e6: {  	v9 =	vadd.f32 v9, v5;
	_ =	sdelay $0x1  }
0x1e7: {  	[tilespmem:v51+s24+$0x0] =	vst.idx.msk $0xffff, v9  }
0x1e8: {  	v9 =	vld [tilespmem:s0+$0xFFFFFF00];
	_ =	sdelay $0x1  }
0x1e9: {  	v8 =	vor.u32 v3, v8;
	_ =	sdelay $0x2  }
0x1ea: {  	s16 =	sadd.s32 $0x2, s14;
	v9 =	vadd.f32 v9, v4  }
0x1eb: {  	v52 =	vmov s16  }
0x1ec: {  	v53 =	vand.u32 $0x7E, v52;
	[tilespmem:v8+s24+$0x0] =	vst.idx.msk $0xffff, v9  }
0x1ed: {  	v8 =	vbroadcast v53, $0x0;
	v9 =	vld [tilespmem:s0+$0xFFFFFF50];
	_ =	sdelay $0x1  }
0x1ee: {  	v54 =	vor.u32 v0, v8;
	_ =	sdelay $0x2  }
0x1ef: {  	v9 =	vadd.f32 v9, v6;
	_ =	sdelay $0x1  }
0x1f0: {  	[tilespmem:v54+s24+$0x0] =	vst.idx.msk $0xffff, v9  }
0x1f1: {  	v9 =	vld [tilespmem:s0+$0xFFFFFF60];
	_ =	sdelay $0x1  }
0x1f2: {  	v55 =	vor.u32 v1, v8;
	_ =	sdelay $0x2  }
0x1f3: {  	v9 =	vadd.f32 v9, v7;
	_ =	sdelay $0x1  }
0x1f4: {  	[tilespmem:v55+s24+$0x0] =	vst.idx.msk $0xffff, v9  }
0x1f5: {  	v9 =	vld [tilespmem:s0+$0xFFFFFF70];
	_ =	sdelay $0x1  }
0x1f6: {  	v56 =	vor.u32 v2, v8;
	_ =	sdelay $0x2  }
0x1f7: {  	v9 =	vadd.f32 v9, v5;
	_ =	sdelay $0x1  }
0x1f8: {  	[tilespmem:v56+s24+$0x0] =	vst.idx.msk $0xffff, v9  }
0x1f9: {  	v9 =	vld [tilespmem:s0+$0xFFFFFF80];
	_ =	sdelay $0x1  }
0x1fa: {  	v8 =	vor.u32 v3, v8;
	_ =	sdelay $0x2  }
0x1fb: {  	s17 =	sadd.s32 $0x3, s14;
	v9 =	vadd.f32 v9, v4  }
0x1fc: {  	v57 =	vmov s17  }
0x1fd: {  	v58 =	vand.u32 $0x7F, v57;
	[tilespmem:v8+s24+$0x0] =	vst.idx.msk $0xffff, v9  }
0x1fe: {  	v8 =	vbroadcast v58, $0x0;
	v9 =	vld [tilespmem:s0+$0xFFFFFFD0];
	_ =	sdelay $0x1  }
0x1ff: {  	v59 =	vor.u32 v0, v8;
	_ =	sdelay $0x2  }
0x200: {  	v60 =	vadd.f32 v9, v6;
	_ =	sdelay $0x1  }
0x201: {  	[tilespmem:v59+s24+$0x0] =	vst.idx.msk $0xffff, v60  }
0x202: {  	v6 =	vld [tilespmem:s0+$0xFFFFFFE0];
	_ =	sdelay $0x1  }
0x203: {  	v61 =	vor.u32 v1, v8;
	_ =	sdelay $0x2  }
0x204: {  	v6 =	vadd.f32 v6, v7;
	_ =	sdelay $0x1  }
0x205: {  	[tilespmem:v61+s24+$0x0] =	vst.idx.msk $0xffff, v6  }
0x206: {  	v6 =	vld [tilespmem:s0+$0xFFFFFFF0];
	_ =	sdelay $0x1  }
0x207: {  	v62 =	vor.u32 v2, v8;
	_ =	sdelay $0x2  }
0x208: {  	v5 =	vadd.f32 v6, v5;
	_ =	sdelay $0x1  }
0x209: {  	[tilespmem:v62+s24+$0x0] =	vst.idx.msk $0xffff, v5  }
0x20a: {  	v5 =	vld [tilespmem:s0+$0x0];
	_ =	sdelay $0x1  }
0x20b: {  	v63 =	vor.u32 v3, v8;
	_ =	sdelay $0x1  }
.Ltmp4:
0x20c: {  	s31 =	sshll.u32 s30, $0x7;
	(pc) =	sbr.rel @p1 .LBB2_8-.Ltmp4, $4  }
0x20d: {  	s0 =	sand.u32 $0x380, s31;
	v4 =	vadd.f32 v5, v4  }
0x20e: {  	s2 =	sshll.u32 s2, $0xD;
	s0 =	sadd.s32 s3, s0  }
0x20f: {  	s0 =	sadd.s32 s2, s0;
	[tilespmem:v63+s24+$0x0] =	vst.idx.msk $0xffff, v4  }
0x210: {  	[hbm4b:s0+s21] =	stream.strided.scatter [tilespmem:s24], [sflag:$0x4], $0x2000, s22, s21, $0x38;
	[tilespmem:$0x16500] =	vst v63  }
0x211: {  	s0 =	sadd.s32 $0x2, s30  }
0x212: {  	s2 =	sshrl.u32 s0, $0x3  }
0x213: {  	s2 =	ssub.s32 s2, s5  }
0x214: {  	s4 =	sshll.u32 s0, $0xA;
	s2 =	sshll.u32 s2, $0xA  }
0x215: {  	s0 =	sshll.u32 s0, $0x4;
	s4 =	sand.u32 $0x1C00, s4;
	s2 =	sand.u32 $0xFFFFE000, s2  }
0x216: {  	s0 =	sand.u32 $0x380, s0;
	s2 =	sor.u32 s4, s2  }
0x217: {  	s0 =	sor.u32 s0, s2  }
0x218: {  	v4 =	vld [tilespmem:s0+$0x0];
	_ =	sdelay $0x4  }
0x219: {  	[tilespmem:$0xA480] =	vst v4  }
0x21a: {  	v4 =	vld [tilespmem:s0+$0x10];
	_ =	sdelay $0x4  }
0x21b: {  	[tilespmem:$0xA490] =	vst v4  }
0x21c: {  	v4 =	vld [tilespmem:s0+$0x20];
	_ =	sdelay $0x4  }
0x21d: {  	[tilespmem:$0xA4A0] =	vst v4  }
0x21e: {  	v4 =	vld [tilespmem:s0+$0x30];
	_ =	sdelay $0x4  }
0x21f: {  	[tilespmem:$0xA4B0] =	vst v4  }
0x220: {  	v4 =	vld [tilespmem:s0+$0x40];
	_ =	sdelay $0x4  }
0x221: {  	[tilespmem:$0xA4C0] =	vst v4  }
0x222: {  	v4 =	vld [tilespmem:s0+$0x50];
	_ =	sdelay $0x4  }
0x223: {  	[tilespmem:$0xA4D0] =	vst v4  }
0x224: {  	v4 =	vld [tilespmem:s0+$0x60];
	_ =	sdelay $0x4  }
0x225: {  	[tilespmem:$0xA4E0] =	vst v4  }
0x226: {  	v4 =	vld [tilespmem:s0+$0x70];
	_ =	sdelay $0x1  }
.Ltmp5:
0x227: {  	_ = 	snop;
	(pc) =	sbr.rel .LBB2_2-.Ltmp5, $3  }
0x228: {  	_ =	sdelay $0x1  }
0x229: {  	s29 =	sadd.s32 $0x1, s29;
	[tilespmem:$0xA4F0] =	vst v4  }
0x22a: {  	[tilespmem:s19], [sflag:$0x2] =	stream.indirect.gather [hbm4b:s6+s15], $0x80, s18, s15, $0xb8;
	[tilespmem:$0x16500] =	vst v63  }
.LBB2_9:
0x22b: {  	_ =	sfence.sel $0x180000  }
0x22c: {  	[bflag:$0x0] =	sbarrier.arrive $0xFFFF  }
0x22d: {  	_ =	strace $0x90000047  }
0x22e: {  	s0 =	stileid.u32;
	[bflag:$0x2] =	sbarrier.arrive $0xFFFF  }
0x22f: {  	p0 =	sne.s32 s0, $0x0;
	s0 =	rddreg [dreg:$0x3]  }
0x230: {  	s0 =	sadd.s32 @!p0 $0x100000, s0  }
0x231: {  	[sflag:s0] =	ssyncadd.tile.s32 @!p0 $0x1;
	_ =	shalt  }
.Lfunc_end2:
_tile_overlayer_lowered:
.L_overlay_start_2:
0x232: {  	(tag) =	ssettag $0x2  }
0x233: {  	s0 =	rddreg [dreg:$0x0];
	s2 =	stileid.u32  }
0x234: {  	s1 =	rddreg [dreg:$0x1];
	p0 =	sne.s32 s2, $0x0  }
0x235: {  	s3 =	rddreg [dreg:$0x2];
	[bflag:$0x3] =	sbarrier.arrive $0xFFFF;
	s2 =	simm.s32 @!p0 $0x1C05  }
0x236: {  	[timem:s3], [sflag:s2] =	dma.local @!p0 [hbm:s0], s1  }
0x237: {  	s0 =	simm.s32 @!p0 $0x5  }
0x238: {  	_ =	swait.ge @!p0 [sflag:s0], s1  }
0x239: {  	s1 =	ssub.s32 @!p0 $0x0, s1;
	[sflag:s0] =	ssyncset.done @!p0 $0x0  }
0x23a: {  	[sflag:s0] =	ssyncadd.s32 @!p0 s1  }
0x23b: {  	[bflag:$0x3] =	sbarrier.arrive $0xFFFF  }
0x23c: {  	_ =	shalt  }

</sc_bundles>
